<compile_context>
chip_gen: v7x
topology: tpu7x:2x2x1
jax: 0.10.2.dev20260603
libtpu: 0.0.44.dev20260713+nightly
codegen_flags: <defaults>
</compile_context>

<pallas_src>
import functools

import jax
import jax.numpy as jnp
from jax import lax
from jax.experimental import pallas as pl
from jax.experimental.pallas import tpu as pltpu
from jax.experimental.pallas import tpu_sc as plsc

N = 10000
E = 320000
D_IN = 128
HID = 3
D_T = 128

NC = 2
NS = 16
NW = NC * NS

NPAD = 10240
EPW = E // NW
PW = 8
RPS = NPAD // NS


def _make_edge_pass_body(gsel, ssel):
    def body(ei_h, table_h, zeros_h, out_h, gbuf, sbuf, vbuf, acc, sem):
        c = lax.axis_index("c")
        s = lax.axis_index("s")
        wid = c * NS + s
        off = pl.multiple_of(wid * EPW, 8)
        pltpu.sync_copy(ei_h.at[gsel, pl.ds(off, EPW)], gbuf)
        pltpu.sync_copy(ei_h.at[ssel, pl.ds(off, EPW)], sbuf)
        gather = pltpu.async_copy(table_h.at[gbuf], vbuf, sem)
        pltpu.sync_copy(zeros_h.at[pl.ds(s * RPS, RPS)],
                        acc.at[pl.ds(s * RPS, RPS)])
        gather.wait()
        plsc.subcore_barrier()
        pltpu.sync_copy(vbuf, acc.at[sbuf], add=True)
        plsc.subcore_barrier()
        pltpu.sync_copy(acc.at[pl.ds(s * RPS, RPS)],
                        out_h.at[c, pl.ds(s * RPS, RPS)])
    return body


@functools.cache
def _edge_pass_kernel(gsel, ssel):
    return pl.kernel(
        _make_edge_pass_body(gsel, ssel),
        out_type=jax.ShapeDtypeStruct((NC, NPAD, PW), jnp.float32),
        mesh=plsc.VectorSubcoreMesh(
            core_axis_name="c", subcore_axis_name="s",
            num_cores=NC, num_subcores=NS),
        scratch_types=[
            pltpu.VMEM((EPW,), jnp.int32),
            pltpu.VMEM((EPW,), jnp.int32),
            pltpu.VMEM((EPW, PW), jnp.float32),
            pltpu.VMEM_SHARED((NPAD, PW), jnp.float32),
            pltpu.SemaphoreType.DMA,
        ],
        compiler_params=pltpu.CompilerParams(use_tc_tiling_on_sc=False),
    )


def _edge_pass(ei, gsel, ssel, table, zeros):
    return _edge_pass_kernel(gsel, ssel)(ei, table, zeros)


def _tc1_body(x_ref, w10_ref, w11_ref, b1_ref, degp_ref,
              z1_ref, xw10_ref, dinv_ref):
    dp = degp_ref[...]
    deg = dp[0, :N, :1] + dp[1, :N, :1]
    dinv = jnp.where(deg > 0, lax.rsqrt(deg), 0.0)
    x = x_ref[...]
    y1 = jnp.dot(x, w11_ref[...], preferred_element_type=jnp.float32)
    y0 = jnp.dot(x, w10_ref[...], preferred_element_type=jnp.float32)
    z = dinv * y1
    z1_ref[...] = jnp.concatenate(
        [z, jnp.zeros((N, PW - HID), jnp.float32)], axis=1)
    xw10_ref[...] = y0 + b1_ref[...]
    dinv_ref[...] = dinv


def _tc2_body(t1p_ref, dinv_ref, xw10_ref,
              z2_ref, h_ref):
    tp = t1p_ref[...]
    dinv = dinv_ref[...]
    t1 = -dinv * (tp[0, :N, :HID] + tp[1, :N, :HID])
    h = jnp.maximum(xw10_ref[...] + t1, 0.0)
    z2_ref[...] = jnp.concatenate(
        [dinv * h, jnp.zeros((N, PW - HID), jnp.float32)], axis=1)
    h_ref[...] = h


def _tc3_body(t2p_ref, dinv_ref, h_ref, w20_ref, b2_ref, w21_ref,
              wl_ref, bl_ref, out_ref):
    tp = t2p_ref[...]
    t2 = -dinv_ref[...] * (tp[0, :N, :HID] + tp[1, :N, :HID])
    h2 = jnp.maximum(
        jnp.dot(h_ref[...], w20_ref[...], preferred_element_type=jnp.float32)
        + jnp.dot(t2, w21_ref[...], preferred_element_type=jnp.float32)
        + b2_ref[...],
        0.0)
    out_ref[...] = (
        jnp.dot(h2, wl_ref[...], preferred_element_type=jnp.float32)
        + bl_ref[...])


_tc1 = pl.pallas_call(
    _tc1_body,
    out_shape=(
        jax.ShapeDtypeStruct((N, PW), jnp.float32),
        jax.ShapeDtypeStruct((N, HID), jnp.float32),
        jax.ShapeDtypeStruct((N, 1), jnp.float32),
    ),
)

_tc2 = pl.pallas_call(
    _tc2_body,
    out_shape=(
        jax.ShapeDtypeStruct((N, PW), jnp.float32),
        jax.ShapeDtypeStruct((N, HID), jnp.float32),
    ),
)

_tc3 = pl.pallas_call(
    _tc3_body,
    out_shape=jax.ShapeDtypeStruct((N, D_T), jnp.float32),
)


def kernel(x, edge_index, W1_0, W1_1, b1, W2_0, W2_1, b2, Wl, bl):
    ones_t = jnp.ones((N, PW), jnp.float32)
    zeros_t = jnp.zeros((NPAD, PW), jnp.float32)

    degp = _edge_pass(edge_index, 0, 0, ones_t, zeros_t)
    z1, xw10, dinv = _tc1(x, W1_0, W1_1, b1.reshape(1, HID), degp)
    t1p = _edge_pass(edge_index, 0, 1, z1, zeros_t)
    z2, h = _tc2(t1p, dinv, xw10)
    t2p = _edge_pass(edge_index, 0, 1, z2, zeros_t)
    outp = _tc3(t2p, dinv, h, W2_0, b2.reshape(1, D_T), W2_1,
                Wl, bl.reshape(1, D_T))
    return outp

# --- scband reference (transcript-rebuilt; emitter-appended) ---
"""Pipeline reference for scband-gcn-33036888441460 (READ-ONLY COPY).

The authoritative reference and input builder live on the scoring server;
editing this copy changes nothing except your own understanding.
"""

import jax, jax.numpy as jnp
import numpy as np

N = 10000
E = 320000
D_IN = 128
HID = 3
D_GCN = 128
D_T = 128


def setup_inputs(seed: int = 0) -> dict:
    key = jax.random.key(seed)
    ks = jax.random.split(key, 12)
    x = jax.random.normal(ks[0], (N, D_IN), dtype=jnp.float32)
    edge_index = jax.random.randint(ks[1], (2, E), 0, N, dtype=jnp.int32)
    s1 = 1.0 / np.sqrt(D_IN)
    s2 = 1.0 / np.sqrt(HID)
    s3 = 1.0 / np.sqrt(D_GCN)
    W1_0 = jax.random.uniform(ks[2], (D_IN, HID), jnp.float32, -s1, s1)
    W1_1 = jax.random.uniform(ks[3], (D_IN, HID), jnp.float32, -s1, s1)
    b1 = jnp.zeros((HID,), jnp.float32)
    W2_0 = jax.random.uniform(ks[4], (HID, D_GCN), jnp.float32, -s2, s2)
    W2_1 = jax.random.uniform(ks[5], (HID, D_GCN), jnp.float32, -s2, s2)
    b2 = jnp.zeros((D_GCN,), jnp.float32)
    Wl = jax.random.uniform(ks[6], (D_GCN, D_T), jnp.float32, -s3, s3)
    bl = jax.random.uniform(ks[7], (D_T,), jnp.float32, -s3, s3)
    return {"x": x, "edge_index": edge_index, "W1_0": W1_0, "W1_1": W1_1, "b1": b1, "W2_0": W2_0, "W2_1": W2_1, "b2": b2, "Wl": Wl, "bl": bl}


def _cheb_conv(x, edge_index, W0, W1, b):
    # ChebConv with K=2, sym normalization, lambda_max=2.0 (PyG semantics):
    # L_hat = 2L/lambda_max - I = -D^{-1/2} A D^{-1/2} (diagonal entries become 0)
    n = x.shape[0]
    row = edge_index[0]
    col = edge_index[1]
    w = jnp.ones((edge_index.shape[1],), dtype=x.dtype)
    deg = jax.ops.segment_sum(w, row, num_segments=n)
    dinv = jnp.where(deg > 0, deg ** -0.5, 0.0)
    norm = -dinv[row] * w * dinv[col]  # 2/lambda_max == 1, self-loop diag == 0
    Tx0 = x
    # message passing: msg = norm * x_j (j = source = row), aggregate at target = col
    Tx1 = jax.ops.segment_sum(norm[:, None] * x[row], col, num_segments=n)
    return Tx0 @ W0 + Tx1 @ W1 + b


def reference(x, edge_index, W1_0, W1_1, b1, W2_0, W2_1, b2, Wl, bl):
    h = jax.nn.relu(_cheb_conv(x, edge_index, W1_0, W1_1, b1))
    h = jax.nn.relu(_cheb_conv(h, edge_index, W2_0, W2_1, b2))
    out = h @ Wl + bl
    return out

if __name__ == "__main__":
    import jax
    _d = setup_inputs()
    print(jax.jit(kernel)(*tuple(_d.values())))

</pallas_src>

<mosaic_0001>
#map = affine_map<(d0, d1) -> (0, 0)>
#map1 = affine_map<(d0, d1) -> (0, 0, 0)>
module attributes {stable_mosaic.version = 14 : i64} {
  func.func @body(%arg0: i32, %arg1: i32, %arg2: memref<2x320000xi32, #tpu.memory_space<hbm>>, %arg3: memref<10000x8xf32, #tpu.memory_space<hbm>>, %arg4: memref<10240x8xf32, #tpu.memory_space<hbm>>, %arg5: memref<2x10240x8xf32, #tpu.memory_space<hbm>>, %arg6: memref<10000xi32, #tpu.memory_space<vmem>>, %arg7: memref<10000xi32, #tpu.memory_space<vmem>>, %arg8: memref<10000x8xf32, #tpu.memory_space<vmem>>, %arg9: memref<10240x8xf32, #tpu.memory_space<vmem_shared>>, %arg10: memref<!tpu.dma_semaphore, #tpu.memory_space<semaphore_mem>>) attributes {dimension_semantics = [#tpu.dimension_semantics<core_parallel>, #tpu.dimension_semantics<subcore_parallel>], iteration_bounds = array<i64: 2, 16>, scalar_prefetch = 0 : i64, scratch_operands = 5 : i64, tpu.core_type = #tpu.core_type<sc_vector_subcore>, window_params = [{transform_indices = #map}, {transform_indices = #map}, {transform_indices = #map}, {transform_indices = #map1}]} {
    %mul3A = arith.constant 16 : i32
    %mul3A_0 = arith.muli %arg0, %mul3A : i32
    %add3A = arith.addi %mul3A_0, %arg1 : i32
    %mul3A_1 = arith.constant 10000 : i32
    %mul3A_2 = arith.muli %add3A, %mul3A_1 : i32
    %multiple_of3A = tpu.assume_multiple %mul3A_2, 8 : i32
    %run_scoped3A = arith.constant 0 : i32
    "tpu.region"() ({
      %run_scoped3A_17 = tpu.sem_alloc : memref<!tpu.dma_semaphore, #tpu.memory_space<semaphore_mem>>
      %dma_start3A_18 = tpu.memref_slice %arg2[%run_scoped3A, %multiple_of3A] : memref<2x320000xi32, #tpu.memory_space<hbm>> -> memref<1x10000xi32, #tpu.memory_space<hbm>>
      %dma_start3A_19 = tpu.memref_squeeze %dma_start3A_18 : memref<1x10000xi32, #tpu.memory_space<hbm>> -> memref<10000xi32, #tpu.memory_space<hbm>>
      %dma_start3A_20 = tpu.memref_slice %arg2[%run_scoped3A, %multiple_of3A] : memref<2x320000xi32, #tpu.memory_space<hbm>> -> memref<1x10000xi32, #tpu.memory_space<hbm>>
      %dma_start3A_21 = tpu.memref_squeeze %dma_start3A_20 : memref<1x10000xi32, #tpu.memory_space<hbm>> -> memref<10000xi32, #tpu.memory_space<hbm>>
      tpu.enqueue_dma source(%dma_start3A_21 : memref<10000xi32, #tpu.memory_space<hbm>>) target(%arg6 : memref<10000xi32, #tpu.memory_space<vmem>>) target_semaphore(%run_scoped3A_17 : memref<!tpu.dma_semaphore, #tpu.memory_space<semaphore_mem>>)
      %dma_wait3A_22 = tpu.memref_slice %arg2[%run_scoped3A, %multiple_of3A] : memref<2x320000xi32, #tpu.memory_space<hbm>> -> memref<1x10000xi32, #tpu.memory_space<hbm>>
      %dma_wait3A_23 = tpu.memref_squeeze %dma_wait3A_22 : memref<1x10000xi32, #tpu.memory_space<hbm>> -> memref<10000xi32, #tpu.memory_space<hbm>>
      %dma_wait3A_24 = tpu.memref_slice %arg2[%run_scoped3A, %multiple_of3A] : memref<2x320000xi32, #tpu.memory_space<hbm>> -> memref<1x10000xi32, #tpu.memory_space<hbm>>
      %dma_wait3A_25 = tpu.memref_squeeze %dma_wait3A_24 : memref<1x10000xi32, #tpu.memory_space<hbm>> -> memref<10000xi32, #tpu.memory_space<hbm>>
      tpu.wait_dma2 semaphore(%run_scoped3A_17 : memref<!tpu.dma_semaphore, #tpu.memory_space<semaphore_mem>>) src(%dma_wait3A_25 : memref<10000xi32, #tpu.memory_space<hbm>>) dst(%arg6 : memref<10000xi32, #tpu.memory_space<vmem>>)
      tpu.yield
    }) : () -> ()
    %run_scoped3A_3 = arith.constant 0 : i32
    "tpu.region"() ({
      %run_scoped3A_17 = tpu.sem_alloc : memref<!tpu.dma_semaphore, #tpu.memory_space<semaphore_mem>>
      %dma_start3A_18 = tpu.memref_slice %arg2[%run_scoped3A_3, %multiple_of3A] : memref<2x320000xi32, #tpu.memory_space<hbm>> -> memref<1x10000xi32, #tpu.memory_space<hbm>>
      %dma_start3A_19 = tpu.memref_squeeze %dma_start3A_18 : memref<1x10000xi32, #tpu.memory_space<hbm>> -> memref<10000xi32, #tpu.memory_space<hbm>>
      %dma_start3A_20 = tpu.memref_slice %arg2[%run_scoped3A_3, %multiple_of3A] : memref<2x320000xi32, #tpu.memory_space<hbm>> -> memref<1x10000xi32, #tpu.memory_space<hbm>>
      %dma_start3A_21 = tpu.memref_squeeze %dma_start3A_20 : memref<1x10000xi32, #tpu.memory_space<hbm>> -> memref<10000xi32, #tpu.memory_space<hbm>>
      tpu.enqueue_dma source(%dma_start3A_21 : memref<10000xi32, #tpu.memory_space<hbm>>) target(%arg7 : memref<10000xi32, #tpu.memory_space<vmem>>) target_semaphore(%run_scoped3A_17 : memref<!tpu.dma_semaphore, #tpu.memory_space<semaphore_mem>>)
      %dma_wait3A_22 = tpu.memref_slice %arg2[%run_scoped3A_3, %multiple_of3A] : memref<2x320000xi32, #tpu.memory_space<hbm>> -> memref<1x10000xi32, #tpu.memory_space<hbm>>
      %dma_wait3A_23 = tpu.memref_squeeze %dma_wait3A_22 : memref<1x10000xi32, #tpu.memory_space<hbm>> -> memref<10000xi32, #tpu.memory_space<hbm>>
      %dma_wait3A_24 = tpu.memref_slice %arg2[%run_scoped3A_3, %multiple_of3A] : memref<2x320000xi32, #tpu.memory_space<hbm>> -> memref<1x10000xi32, #tpu.memory_space<hbm>>
      %dma_wait3A_25 = tpu.memref_squeeze %dma_wait3A_24 : memref<1x10000xi32, #tpu.memory_space<hbm>> -> memref<10000xi32, #tpu.memory_space<hbm>>
      tpu.wait_dma2 semaphore(%run_scoped3A_17 : memref<!tpu.dma_semaphore, #tpu.memory_space<semaphore_mem>>) src(%dma_wait3A_25 : memref<10000xi32, #tpu.memory_space<hbm>>) dst(%arg7 : memref<10000xi32, #tpu.memory_space<vmem>>)
      tpu.yield
    }) : () -> ()
    %dma_start3A = arith.constant 0 : i32
    %dma_start3A_4 = arith.constant 0 : i32
    %dma_start3A_5 = tpu.memref_slice %arg3[%dma_start3A, %dma_start3A_4] : memref<10000x8xf32, #tpu.memory_space<hbm>> -> memref<10000x8xf32, #tpu.memory_space<hbm>>
    tpu.enqueue_indirect_dma source(%dma_start3A_5 : memref<10000x8xf32, #tpu.memory_space<hbm>>) target(%arg8 : memref<10000x8xf32, #tpu.memory_space<vmem>>) offsets(%arg6 : memref<10000xi32, #tpu.memory_space<vmem>>) semaphore(%arg10 : memref<!tpu.dma_semaphore, #tpu.memory_space<semaphore_mem>>)
    %mul3A_6 = arith.constant 640 : i32
    %mul3A_7 = arith.muli %arg1, %mul3A_6 : i32
    %mul3A_8 = arith.constant 640 : i32
    %mul3A_9 = arith.muli %arg1, %mul3A_8 : i32
    "tpu.region"() ({
      %run_scoped3A_17 = tpu.sem_alloc : memref<!tpu.dma_semaphore, #tpu.memory_space<semaphore_mem>>
      %dma_start3A_18 = arith.constant 0 : i32
      %dma_start3A_19 = tpu.memref_slice %arg9[%mul3A_9, %dma_start3A_18] : memref<10240x8xf32, #tpu.memory_space<vmem_shared>> -> memref<640x8xf32, #tpu.memory_space<vmem_shared>>
      %dma_start3A_20 = arith.constant 0 : i32
      %dma_start3A_21 = tpu.memref_slice %arg4[%mul3A_7, %dma_start3A_20] : memref<10240x8xf32, #tpu.memory_space<hbm>> -> memref<640x8xf32, #tpu.memory_space<hbm>>
      tpu.enqueue_dma source(%dma_start3A_21 : memref<640x8xf32, #tpu.memory_space<hbm>>) target(%dma_start3A_19 : memref<640x8xf32, #tpu.memory_space<vmem_shared>>) target_semaphore(%run_scoped3A_17 : memref<!tpu.dma_semaphore, #tpu.memory_space<semaphore_mem>>)
      %dma_wait3A_22 = arith.constant 0 : i32
      %dma_wait3A_23 = tpu.memref_slice %arg9[%mul3A_9, %dma_wait3A_22] : memref<10240x8xf32, #tpu.memory_space<vmem_shared>> -> memref<640x8xf32, #tpu.memory_space<vmem_shared>>
      %dma_wait3A_24 = arith.constant 0 : i32
      %dma_wait3A_25 = tpu.memref_slice %arg4[%mul3A_7, %dma_wait3A_24] : memref<10240x8xf32, #tpu.memory_space<hbm>> -> memref<640x8xf32, #tpu.memory_space<hbm>>
      tpu.wait_dma2 semaphore(%run_scoped3A_17 : memref<!tpu.dma_semaphore, #tpu.memory_space<semaphore_mem>>) src(%dma_wait3A_25 : memref<640x8xf32, #tpu.memory_space<hbm>>) dst(%dma_wait3A_23 : memref<640x8xf32, #tpu.memory_space<vmem_shared>>)
      tpu.yield
    }) : () -> ()
    %dma_wait3A = arith.constant 0 : i32
    %dma_wait3A_10 = arith.constant 0 : i32
    %dma_wait3A_11 = tpu.memref_slice %arg3[%dma_wait3A, %dma_wait3A_10] : memref<10000x8xf32, #tpu.memory_space<hbm>> -> memref<10000x8xf32, #tpu.memory_space<hbm>>
    tpu.wait_indirect_dma semaphore(%arg10 : memref<!tpu.dma_semaphore, #tpu.memory_space<semaphore_mem>>) src(%dma_wait3A_11 : memref<10000x8xf32, #tpu.memory_space<hbm>>) dst(%arg8 : memref<10000x8xf32, #tpu.memory_space<vmem>>)
    %barrier3A = arith.constant 0 : index
    tpu.barrier barrier_id(%barrier3A)
    "tpu.region"() ({
      %run_scoped3A_17 = tpu.sem_alloc : memref<!tpu.dma_semaphore, #tpu.memory_space<semaphore_mem>>
      %dma_start3A_18 = arith.constant 0 : i32
      %dma_start3A_19 = arith.constant 0 : i32
      %dma_start3A_20 = tpu.memref_slice %arg9[%dma_start3A_18, %dma_start3A_19] : memref<10240x8xf32, #tpu.memory_space<vmem_shared>> -> memref<10240x8xf32, #tpu.memory_space<vmem_shared>>
      tpu.enqueue_indirect_dma source(%arg8 : memref<10000x8xf32, #tpu.memory_space<vmem>>) target(%dma_start3A_20 : memref<10240x8xf32, #tpu.memory_space<vmem_shared>>) offsets(%arg7 : memref<10000xi32, #tpu.memory_space<vmem>>) semaphore(%run_scoped3A_17 : memref<!tpu.dma_semaphore, #tpu.memory_space<semaphore_mem>>) {add = true}
      %dma_wait3A_21 = arith.constant 0 : i32
      %dma_wait3A_22 = arith.constant 0 : i32
      %dma_wait3A_23 = tpu.memref_slice %arg9[%dma_wait3A_21, %dma_wait3A_22] : memref<10240x8xf32, #tpu.memory_space<vmem_shared>> -> memref<10240x8xf32, #tpu.memory_space<vmem_shared>>
      tpu.wait_indirect_dma semaphore(%run_scoped3A_17 : memref<!tpu.dma_semaphore, #tpu.memory_space<semaphore_mem>>) src(%arg8 : memref<10000x8xf32, #tpu.memory_space<vmem>>) dst(%dma_wait3A_23 : memref<10240x8xf32, #tpu.memory_space<vmem_shared>>)
      tpu.yield
    }) : () -> ()
    %barrier3A_12 = arith.constant 0 : index
    tpu.barrier barrier_id(%barrier3A_12)
    %mul3A_13 = arith.constant 640 : i32
    %mul3A_14 = arith.muli %arg1, %mul3A_13 : i32
    %mul3A_15 = arith.constant 640 : i32
    %mul3A_16 = arith.muli %arg1, %mul3A_15 : i32
    "tpu.region"() ({
      %run_scoped3A_17 = tpu.sem_alloc : memref<!tpu.dma_semaphore, #tpu.memory_space<semaphore_mem>>
      %dma_start3A_18 = arith.constant 0 : i32
      %dma_start3A_19 = tpu.memref_slice %arg5[%arg0, %mul3A_16, %dma_start3A_18] : memref<2x10240x8xf32, #tpu.memory_space<hbm>> -> memref<1x640x8xf32, #tpu.memory_space<hbm>>
      %dma_start3A_20 = tpu.memref_squeeze %dma_start3A_19 : memref<1x640x8xf32, #tpu.memory_space<hbm>> -> memref<640x8xf32, #tpu.memory_space<hbm>>
      %dma_start3A_21 = arith.constant 0 : i32
      %dma_start3A_22 = tpu.memref_slice %arg9[%mul3A_14, %dma_start3A_21] : memref<10240x8xf32, #tpu.memory_space<vmem_shared>> -> memref<640x8xf32, #tpu.memory_space<vmem_shared>>
      tpu.enqueue_dma source(%dma_start3A_22 : memref<640x8xf32, #tpu.memory_space<vmem_shared>>) target(%dma_start3A_20 : memref<640x8xf32, #tpu.memory_space<hbm>>) target_semaphore(%run_scoped3A_17 : memref<!tpu.dma_semaphore, #tpu.memory_space<semaphore_mem>>)
      %dma_wait3A_23 = arith.constant 0 : i32
      %dma_wait3A_24 = tpu.memref_slice %arg5[%arg0, %mul3A_16, %dma_wait3A_23] : memref<2x10240x8xf32, #tpu.memory_space<hbm>> -> memref<1x640x8xf32, #tpu.memory_space<hbm>>
      %dma_wait3A_25 = tpu.memref_squeeze %dma_wait3A_24 : memref<1x640x8xf32, #tpu.memory_space<hbm>> -> memref<640x8xf32, #tpu.memory_space<hbm>>
      %dma_wait3A_26 = arith.constant 0 : i32
      %dma_wait3A_27 = tpu.memref_slice %arg9[%mul3A_14, %dma_wait3A_26] : memref<10240x8xf32, #tpu.memory_space<vmem_shared>> -> memref<640x8xf32, #tpu.memory_space<vmem_shared>>
      tpu.wait_dma2 semaphore(%run_scoped3A_17 : memref<!tpu.dma_semaphore, #tpu.memory_space<semaphore_mem>>) src(%dma_wait3A_27 : memref<640x8xf32, #tpu.memory_space<vmem_shared>>) dst(%dma_wait3A_25 : memref<640x8xf32, #tpu.memory_space<hbm>>)
      tpu.yield
    }) : () -> ()
    return
  }
}

#map = affine_map<(d0, d1) -> (0, 0)>
#map1 = affine_map<(d0, d1) -> (0, 0, 0)>
module attributes {stable_mosaic.version = 14 : i64} {
  func.func @body(%arg0: i32, %arg1: i32, %arg2: memref<2x320000xi32, #tpu.memory_space<hbm>>, %arg3: memref<10000x8xf32, #tpu.memory_space<hbm>>, %arg4: memref<10240x8xf32, #tpu.memory_space<hbm>>, %arg5: memref<2x10240x8xf32, #tpu.memory_space<hbm>>, %arg6: memref<10000xi32, #tpu.memory_space<vmem>>, %arg7: memref<10000xi32, #tpu.memory_space<vmem>>, %arg8: memref<10000x8xf32, #tpu.memory_space<vmem>>, %arg9: memref<10240x8xf32, #tpu.memory_space<vmem_shared>>, %arg10: memref<!tpu.dma_semaphore, #tpu.memory_space<semaphore_mem>>) attributes {dimension_semantics = [#tpu.dimension_semantics<core_parallel>, #tpu.dimension_semantics<subcore_parallel>], iteration_bounds = array<i64: 2, 16>, scalar_prefetch = 0 : i64, scratch_operands = 5 : i64, tpu.core_type = #tpu.core_type<sc_vector_subcore>, window_params = [{transform_indices = #map}, {transform_indices = #map}, {transform_indices = #map}, {transform_indices = #map1}]} {
    %mul3A = arith.constant 16 : i32
    %mul3A_0 = arith.muli %arg0, %mul3A : i32
    %add3A = arith.addi %mul3A_0, %arg1 : i32
    %mul3A_1 = arith.constant 10000 : i32
    %mul3A_2 = arith.muli %add3A, %mul3A_1 : i32
    %multiple_of3A = tpu.assume_multiple %mul3A_2, 8 : i32
    %run_scoped3A = arith.constant 0 : i32
    "tpu.region"() ({
      %run_scoped3A_17 = tpu.sem_alloc : memref<!tpu.dma_semaphore, #tpu.memory_space<semaphore_mem>>
      %dma_start3A_18 = tpu.memref_slice %arg2[%run_scoped3A, %multiple_of3A] : memref<2x320000xi32, #tpu.memory_space<hbm>> -> memref<1x10000xi32, #tpu.memory_space<hbm>>
      %dma_start3A_19 = tpu.memref_squeeze %dma_start3A_18 : memref<1x10000xi32, #tpu.memory_space<hbm>> -> memref<10000xi32, #tpu.memory_space<hbm>>
      %dma_start3A_20 = tpu.memref_slice %arg2[%run_scoped3A, %multiple_of3A] : memref<2x320000xi32, #tpu.memory_space<hbm>> -> memref<1x10000xi32, #tpu.memory_space<hbm>>
      %dma_start3A_21 = tpu.memref_squeeze %dma_start3A_20 : memref<1x10000xi32, #tpu.memory_space<hbm>> -> memref<10000xi32, #tpu.memory_space<hbm>>
      tpu.enqueue_dma source(%dma_start3A_21 : memref<10000xi32, #tpu.memory_space<hbm>>) target(%arg6 : memref<10000xi32, #tpu.memory_space<vmem>>) target_semaphore(%run_scoped3A_17 : memref<!tpu.dma_semaphore, #tpu.memory_space<semaphore_mem>>)
      %dma_wait3A_22 = tpu.memref_slice %arg2[%run_scoped3A, %multiple_of3A] : memref<2x320000xi32, #tpu.memory_space<hbm>> -> memref<1x10000xi32, #tpu.memory_space<hbm>>
      %dma_wait3A_23 = tpu.memref_squeeze %dma_wait3A_22 : memref<1x10000xi32, #tpu.memory_space<hbm>> -> memref<10000xi32, #tpu.memory_space<hbm>>
      %dma_wait3A_24 = tpu.memref_slice %arg2[%run_scoped3A, %multiple_of3A] : memref<2x320000xi32, #tpu.memory_space<hbm>> -> memref<1x10000xi32, #tpu.memory_space<hbm>>
      %dma_wait3A_25 = tpu.memref_squeeze %dma_wait3A_24 : memref<1x10000xi32, #tpu.memory_space<hbm>> -> memref<10000xi32, #tpu.memory_space<hbm>>
      tpu.wait_dma2 semaphore(%run_scoped3A_17 : memref<!tpu.dma_semaphore, #tpu.memory_space<semaphore_mem>>) src(%dma_wait3A_25 : memref<10000xi32, #tpu.memory_space<hbm>>) dst(%arg6 : memref<10000xi32, #tpu.memory_space<vmem>>)
      tpu.yield
    }) : () -> ()
    %run_scoped3A_3 = arith.constant 1 : i32
    "tpu.region"() ({
      %run_scoped3A_17 = tpu.sem_alloc : memref<!tpu.dma_semaphore, #tpu.memory_space<semaphore_mem>>
      %dma_start3A_18 = tpu.memref_slice %arg2[%run_scoped3A_3, %multiple_of3A] : memref<2x320000xi32, #tpu.memory_space<hbm>> -> memref<1x10000xi32, #tpu.memory_space<hbm>>
      %dma_start3A_19 = tpu.memref_squeeze %dma_start3A_18 : memref<1x10000xi32, #tpu.memory_space<hbm>> -> memref<10000xi32, #tpu.memory_space<hbm>>
      %dma_start3A_20 = tpu.memref_slice %arg2[%run_scoped3A_3, %multiple_of3A] : memref<2x320000xi32, #tpu.memory_space<hbm>> -> memref<1x10000xi32, #tpu.memory_space<hbm>>
      %dma_start3A_21 = tpu.memref_squeeze %dma_start3A_20 : memref<1x10000xi32, #tpu.memory_space<hbm>> -> memref<10000xi32, #tpu.memory_space<hbm>>
      tpu.enqueue_dma source(%dma_start3A_21 : memref<10000xi32, #tpu.memory_space<hbm>>) target(%arg7 : memref<10000xi32, #tpu.memory_space<vmem>>) target_semaphore(%run_scoped3A_17 : memref<!tpu.dma_semaphore, #tpu.memory_space<semaphore_mem>>)
      %dma_wait3A_22 = tpu.memref_slice %arg2[%run_scoped3A_3, %multiple_of3A] : memref<2x320000xi32, #tpu.memory_space<hbm>> -> memref<1x10000xi32, #tpu.memory_space<hbm>>
      %dma_wait3A_23 = tpu.memref_squeeze %dma_wait3A_22 : memref<1x10000xi32, #tpu.memory_space<hbm>> -> memref<10000xi32, #tpu.memory_space<hbm>>
      %dma_wait3A_24 = tpu.memref_slice %arg2[%run_scoped3A_3, %multiple_of3A] : memref<2x320000xi32, #tpu.memory_space<hbm>> -> memref<1x10000xi32, #tpu.memory_space<hbm>>
      %dma_wait3A_25 = tpu.memref_squeeze %dma_wait3A_24 : memref<1x10000xi32, #tpu.memory_space<hbm>> -> memref<10000xi32, #tpu.memory_space<hbm>>
      tpu.wait_dma2 semaphore(%run_scoped3A_17 : memref<!tpu.dma_semaphore, #tpu.memory_space<semaphore_mem>>) src(%dma_wait3A_25 : memref<10000xi32, #tpu.memory_space<hbm>>) dst(%arg7 : memref<10000xi32, #tpu.memory_space<vmem>>)
      tpu.yield
    }) : () -> ()
    %dma_start3A = arith.constant 0 : i32
    %dma_start3A_4 = arith.constant 0 : i32
    %dma_start3A_5 = tpu.memref_slice %arg3[%dma_start3A, %dma_start3A_4] : memref<10000x8xf32, #tpu.memory_space<hbm>> -> memref<10000x8xf32, #tpu.memory_space<hbm>>
    tpu.enqueue_indirect_dma source(%dma_start3A_5 : memref<10000x8xf32, #tpu.memory_space<hbm>>) target(%arg8 : memref<10000x8xf32, #tpu.memory_space<vmem>>) offsets(%arg6 : memref<10000xi32, #tpu.memory_space<vmem>>) semaphore(%arg10 : memref<!tpu.dma_semaphore, #tpu.memory_space<semaphore_mem>>)
    %mul3A_6 = arith.constant 640 : i32
    %mul3A_7 = arith.muli %arg1, %mul3A_6 : i32
    %mul3A_8 = arith.constant 640 : i32
    %mul3A_9 = arith.muli %arg1, %mul3A_8 : i32
    "tpu.region"() ({
      %run_scoped3A_17 = tpu.sem_alloc : memref<!tpu.dma_semaphore, #tpu.memory_space<semaphore_mem>>
      %dma_start3A_18 = arith.constant 0 : i32
      %dma_start3A_19 = tpu.memref_slice %arg9[%mul3A_9, %dma_start3A_18] : memref<10240x8xf32, #tpu.memory_space<vmem_shared>> -> memref<640x8xf32, #tpu.memory_space<vmem_shared>>
      %dma_start3A_20 = arith.constant 0 : i32
      %dma_start3A_21 = tpu.memref_slice %arg4[%mul3A_7, %dma_start3A_20] : memref<10240x8xf32, #tpu.memory_space<hbm>> -> memref<640x8xf32, #tpu.memory_space<hbm>>
      tpu.enqueue_dma source(%dma_start3A_21 : memref<640x8xf32, #tpu.memory_space<hbm>>) target(%dma_start3A_19 : memref<640x8xf32, #tpu.memory_space<vmem_shared>>) target_semaphore(%run_scoped3A_17 : memref<!tpu.dma_semaphore, #tpu.memory_space<semaphore_mem>>)
      %dma_wait3A_22 = arith.constant 0 : i32
      %dma_wait3A_23 = tpu.memref_slice %arg9[%mul3A_9, %dma_wait3A_22] : memref<10240x8xf32, #tpu.memory_space<vmem_shared>> -> memref<640x8xf32, #tpu.memory_space<vmem_shared>>
      %dma_wait3A_24 = arith.constant 0 : i32
      %dma_wait3A_25 = tpu.memref_slice %arg4[%mul3A_7, %dma_wait3A_24] : memref<10240x8xf32, #tpu.memory_space<hbm>> -> memref<640x8xf32, #tpu.memory_space<hbm>>
      tpu.wait_dma2 semaphore(%run_scoped3A_17 : memref<!tpu.dma_semaphore, #tpu.memory_space<semaphore_mem>>) src(%dma_wait3A_25 : memref<640x8xf32, #tpu.memory_space<hbm>>) dst(%dma_wait3A_23 : memref<640x8xf32, #tpu.memory_space<vmem_shared>>)
      tpu.yield
    }) : () -> ()
    %dma_wait3A = arith.constant 0 : i32
    %dma_wait3A_10 = arith.constant 0 : i32
    %dma_wait3A_11 = tpu.memref_slice %arg3[%dma_wait3A, %dma_wait3A_10] : memref<10000x8xf32, #tpu.memory_space<hbm>> -> memref<10000x8xf32, #tpu.memory_space<hbm>>
    tpu.wait_indirect_dma semaphore(%arg10 : memref<!tpu.dma_semaphore, #tpu.memory_space<semaphore_mem>>) src(%dma_wait3A_11 : memref<10000x8xf32, #tpu.memory_space<hbm>>) dst(%arg8 : memref<10000x8xf32, #tpu.memory_space<vmem>>)
    %barrier3A = arith.constant 0 : index
    tpu.barrier barrier_id(%barrier3A)
    "tpu.region"() ({
      %run_scoped3A_17 = tpu.sem_alloc : memref<!tpu.dma_semaphore, #tpu.memory_space<semaphore_mem>>
      %dma_start3A_18 = arith.constant 0 : i32
      %dma_start3A_19 = arith.constant 0 : i32
      %dma_start3A_20 = tpu.memref_slice %arg9[%dma_start3A_18, %dma_start3A_19] : memref<10240x8xf32, #tpu.memory_space<vmem_shared>> -> memref<10240x8xf32, #tpu.memory_space<vmem_shared>>
      tpu.enqueue_indirect_dma source(%arg8 : memref<10000x8xf32, #tpu.memory_space<vmem>>) target(%dma_start3A_20 : memref<10240x8xf32, #tpu.memory_space<vmem_shared>>) offsets(%arg7 : memref<10000xi32, #tpu.memory_space<vmem>>) semaphore(%run_scoped3A_17 : memref<!tpu.dma_semaphore, #tpu.memory_space<semaphore_mem>>) {add = true}
      %dma_wait3A_21 = arith.constant 0 : i32
      %dma_wait3A_22 = arith.constant 0 : i32
      %dma_wait3A_23 = tpu.memref_slice %arg9[%dma_wait3A_21, %dma_wait3A_22] : memref<10240x8xf32, #tpu.memory_space<vmem_shared>> -> memref<10240x8xf32, #tpu.memory_space<vmem_shared>>
      tpu.wait_indirect_dma semaphore(%run_scoped3A_17 : memref<!tpu.dma_semaphore, #tpu.memory_space<semaphore_mem>>) src(%arg8 : memref<10000x8xf32, #tpu.memory_space<vmem>>) dst(%dma_wait3A_23 : memref<10240x8xf32, #tpu.memory_space<vmem_shared>>)
      tpu.yield
    }) : () -> ()
    %barrier3A_12 = arith.constant 0 : index
    tpu.barrier barrier_id(%barrier3A_12)
    %mul3A_13 = arith.constant 640 : i32
    %mul3A_14 = arith.muli %arg1, %mul3A_13 : i32
    %mul3A_15 = arith.constant 640 : i32
    %mul3A_16 = arith.muli %arg1, %mul3A_15 : i32
    "tpu.region"() ({
      %run_scoped3A_17 = tpu.sem_alloc : memref<!tpu.dma_semaphore, #tpu.memory_space<semaphore_mem>>
      %dma_start3A_18 = arith.constant 0 : i32
      %dma_start3A_19 = tpu.memref_slice %arg5[%arg0, %mul3A_16, %dma_start3A_18] : memref<2x10240x8xf32, #tpu.memory_space<hbm>> -> memref<1x640x8xf32, #tpu.memory_space<hbm>>
      %dma_start3A_20 = tpu.memref_squeeze %dma_start3A_19 : memref<1x640x8xf32, #tpu.memory_space<hbm>> -> memref<640x8xf32, #tpu.memory_space<hbm>>
      %dma_start3A_21 = arith.constant 0 : i32
      %dma_start3A_22 = tpu.memref_slice %arg9[%mul3A_14, %dma_start3A_21] : memref<10240x8xf32, #tpu.memory_space<vmem_shared>> -> memref<640x8xf32, #tpu.memory_space<vmem_shared>>
      tpu.enqueue_dma source(%dma_start3A_22 : memref<640x8xf32, #tpu.memory_space<vmem_shared>>) target(%dma_start3A_20 : memref<640x8xf32, #tpu.memory_space<hbm>>) target_semaphore(%run_scoped3A_17 : memref<!tpu.dma_semaphore, #tpu.memory_space<semaphore_mem>>)
      %dma_wait3A_23 = arith.constant 0 : i32
      %dma_wait3A_24 = tpu.memref_slice %arg5[%arg0, %mul3A_16, %dma_wait3A_23] : memref<2x10240x8xf32, #tpu.memory_space<hbm>> -> memref<1x640x8xf32, #tpu.memory_space<hbm>>
      %dma_wait3A_25 = tpu.memref_squeeze %dma_wait3A_24 : memref<1x640x8xf32, #tpu.memory_space<hbm>> -> memref<640x8xf32, #tpu.memory_space<hbm>>
      %dma_wait3A_26 = arith.constant 0 : i32
      %dma_wait3A_27 = tpu.memref_slice %arg9[%mul3A_14, %dma_wait3A_26] : memref<10240x8xf32, #tpu.memory_space<vmem_shared>> -> memref<640x8xf32, #tpu.memory_space<vmem_shared>>
      tpu.wait_dma2 semaphore(%run_scoped3A_17 : memref<!tpu.dma_semaphore, #tpu.memory_space<semaphore_mem>>) src(%dma_wait3A_27 : memref<640x8xf32, #tpu.memory_space<vmem_shared>>) dst(%dma_wait3A_25 : memref<640x8xf32, #tpu.memory_space<hbm>>)
      tpu.yield
    }) : () -> ()
    return
  }
}

#map = affine_map<(d0, d1) -> (0, 0)>
#map1 = affine_map<(d0, d1) -> (0, 0, 0)>
module attributes {stable_mosaic.version = 14 : i64} {
  func.func @body(%arg0: i32, %arg1: i32, %arg2: memref<2x320000xi32, #tpu.memory_space<hbm>>, %arg3: memref<10000x8xf32, #tpu.memory_space<hbm>>, %arg4: memref<10240x8xf32, #tpu.memory_space<hbm>>, %arg5: memref<2x10240x8xf32, #tpu.memory_space<hbm>>, %arg6: memref<10000xi32, #tpu.memory_space<vmem>>, %arg7: memref<10000xi32, #tpu.memory_space<vmem>>, %arg8: memref<10000x8xf32, #tpu.memory_space<vmem>>, %arg9: memref<10240x8xf32, #tpu.memory_space<vmem_shared>>, %arg10: memref<!tpu.dma_semaphore, #tpu.memory_space<semaphore_mem>>) attributes {dimension_semantics = [#tpu.dimension_semantics<core_parallel>, #tpu.dimension_semantics<subcore_parallel>], iteration_bounds = array<i64: 2, 16>, scalar_prefetch = 0 : i64, scratch_operands = 5 : i64, tpu.core_type = #tpu.core_type<sc_vector_subcore>, window_params = [{transform_indices = #map}, {transform_indices = #map}, {transform_indices = #map}, {transform_indices = #map1}]} {
    %mul3A = arith.constant 16 : i32
    %mul3A_0 = arith.muli %arg0, %mul3A : i32
    %add3A = arith.addi %mul3A_0, %arg1 : i32
    %mul3A_1 = arith.constant 10000 : i32
    %mul3A_2 = arith.muli %add3A, %mul3A_1 : i32
    %multiple_of3A = tpu.assume_multiple %mul3A_2, 8 : i32
    %run_scoped3A = arith.constant 0 : i32
    "tpu.region"() ({
      %run_scoped3A_17 = tpu.sem_alloc : memref<!tpu.dma_semaphore, #tpu.memory_space<semaphore_mem>>
      %dma_start3A_18 = tpu.memref_slice %arg2[%run_scoped3A, %multiple_of3A] : memref<2x320000xi32, #tpu.memory_space<hbm>> -> memref<1x10000xi32, #tpu.memory_space<hbm>>
      %dma_start3A_19 = tpu.memref_squeeze %dma_start3A_18 : memref<1x10000xi32, #tpu.memory_space<hbm>> -> memref<10000xi32, #tpu.memory_space<hbm>>
      %dma_start3A_20 = tpu.memref_slice %arg2[%run_scoped3A, %multiple_of3A] : memref<2x320000xi32, #tpu.memory_space<hbm>> -> memref<1x10000xi32, #tpu.memory_space<hbm>>
      %dma_start3A_21 = tpu.memref_squeeze %dma_start3A_20 : memref<1x10000xi32, #tpu.memory_space<hbm>> -> memref<10000xi32, #tpu.memory_space<hbm>>
      tpu.enqueue_dma source(%dma_start3A_21 : memref<10000xi32, #tpu.memory_space<hbm>>) target(%arg6 : memref<10000xi32, #tpu.memory_space<vmem>>) target_semaphore(%run_scoped3A_17 : memref<!tpu.dma_semaphore, #tpu.memory_space<semaphore_mem>>)
      %dma_wait3A_22 = tpu.memref_slice %arg2[%run_scoped3A, %multiple_of3A] : memref<2x320000xi32, #tpu.memory_space<hbm>> -> memref<1x10000xi32, #tpu.memory_space<hbm>>
      %dma_wait3A_23 = tpu.memref_squeeze %dma_wait3A_22 : memref<1x10000xi32, #tpu.memory_space<hbm>> -> memref<10000xi32, #tpu.memory_space<hbm>>
      %dma_wait3A_24 = tpu.memref_slice %arg2[%run_scoped3A, %multiple_of3A] : memref<2x320000xi32, #tpu.memory_space<hbm>> -> memref<1x10000xi32, #tpu.memory_space<hbm>>
      %dma_wait3A_25 = tpu.memref_squeeze %dma_wait3A_24 : memref<1x10000xi32, #tpu.memory_space<hbm>> -> memref<10000xi32, #tpu.memory_space<hbm>>
      tpu.wait_dma2 semaphore(%run_scoped3A_17 : memref<!tpu.dma_semaphore, #tpu.memory_space<semaphore_mem>>) src(%dma_wait3A_25 : memref<10000xi32, #tpu.memory_space<hbm>>) dst(%arg6 : memref<10000xi32, #tpu.memory_space<vmem>>)
      tpu.yield
    }) : () -> ()
    %run_scoped3A_3 = arith.constant 1 : i32
    "tpu.region"() ({
      %run_scoped3A_17 = tpu.sem_alloc : memref<!tpu.dma_semaphore, #tpu.memory_space<semaphore_mem>>
      %dma_start3A_18 = tpu.memref_slice %arg2[%run_scoped3A_3, %multiple_of3A] : memref<2x320000xi32, #tpu.memory_space<hbm>> -> memref<1x10000xi32, #tpu.memory_space<hbm>>
      %dma_start3A_19 = tpu.memref_squeeze %dma_start3A_18 : memref<1x10000xi32, #tpu.memory_space<hbm>> -> memref<10000xi32, #tpu.memory_space<hbm>>
      %dma_start3A_20 = tpu.memref_slice %arg2[%run_scoped3A_3, %multiple_of3A] : memref<2x320000xi32, #tpu.memory_space<hbm>> -> memref<1x10000xi32, #tpu.memory_space<hbm>>
      %dma_start3A_21 = tpu.memref_squeeze %dma_start3A_20 : memref<1x10000xi32, #tpu.memory_space<hbm>> -> memref<10000xi32, #tpu.memory_space<hbm>>
      tpu.enqueue_dma source(%dma_start3A_21 : memref<10000xi32, #tpu.memory_space<hbm>>) target(%arg7 : memref<10000xi32, #tpu.memory_space<vmem>>) target_semaphore(%run_scoped3A_17 : memref<!tpu.dma_semaphore, #tpu.memory_space<semaphore_mem>>)
      %dma_wait3A_22 = tpu.memref_slice %arg2[%run_scoped3A_3, %multiple_of3A] : memref<2x320000xi32, #tpu.memory_space<hbm>> -> memref<1x10000xi32, #tpu.memory_space<hbm>>
      %dma_wait3A_23 = tpu.memref_squeeze %dma_wait3A_22 : memref<1x10000xi32, #tpu.memory_space<hbm>> -> memref<10000xi32, #tpu.memory_space<hbm>>
      %dma_wait3A_24 = tpu.memref_slice %arg2[%run_scoped3A_3, %multiple_of3A] : memref<2x320000xi32, #tpu.memory_space<hbm>> -> memref<1x10000xi32, #tpu.memory_space<hbm>>
      %dma_wait3A_25 = tpu.memref_squeeze %dma_wait3A_24 : memref<1x10000xi32, #tpu.memory_space<hbm>> -> memref<10000xi32, #tpu.memory_space<hbm>>
      tpu.wait_dma2 semaphore(%run_scoped3A_17 : memref<!tpu.dma_semaphore, #tpu.memory_space<semaphore_mem>>) src(%dma_wait3A_25 : memref<10000xi32, #tpu.memory_space<hbm>>) dst(%arg7 : memref<10000xi32, #tpu.memory_space<vmem>>)
      tpu.yield
    }) : () -> ()
    %dma_start3A = arith.constant 0 : i32
    %dma_start3A_4 = arith.constant 0 : i32
    %dma_start3A_5 = tpu.memref_slice %arg3[%dma_start3A, %dma_start3A_4] : memref<10000x8xf32, #tpu.memory_space<hbm>> -> memref<10000x8xf32, #tpu.memory_space<hbm>>
    tpu.enqueue_indirect_dma source(%dma_start3A_5 : memref<10000x8xf32, #tpu.memory_space<hbm>>) target(%arg8 : memref<10000x8xf32, #tpu.memory_space<vmem>>) offsets(%arg6 : memref<10000xi32, #tpu.memory_space<vmem>>) semaphore(%arg10 : memref<!tpu.dma_semaphore, #tpu.memory_space<semaphore_mem>>)
    %mul3A_6 = arith.constant 640 : i32
    %mul3A_7 = arith.muli %arg1, %mul3A_6 : i32
    %mul3A_8 = arith.constant 640 : i32
    %mul3A_9 = arith.muli %arg1, %mul3A_8 : i32
    "tpu.region"() ({
      %run_scoped3A_17 = tpu.sem_alloc : memref<!tpu.dma_semaphore, #tpu.memory_space<semaphore_mem>>
      %dma_start3A_18 = arith.constant 0 : i32
      %dma_start3A_19 = tpu.memref_slice %arg9[%mul3A_9, %dma_start3A_18] : memref<10240x8xf32, #tpu.memory_space<vmem_shared>> -> memref<640x8xf32, #tpu.memory_space<vmem_shared>>
      %dma_start3A_20 = arith.constant 0 : i32
      %dma_start3A_21 = tpu.memref_slice %arg4[%mul3A_7, %dma_start3A_20] : memref<10240x8xf32, #tpu.memory_space<hbm>> -> memref<640x8xf32, #tpu.memory_space<hbm>>
      tpu.enqueue_dma source(%dma_start3A_21 : memref<640x8xf32, #tpu.memory_space<hbm>>) target(%dma_start3A_19 : memref<640x8xf32, #tpu.memory_space<vmem_shared>>) target_semaphore(%run_scoped3A_17 : memref<!tpu.dma_semaphore, #tpu.memory_space<semaphore_mem>>)
      %dma_wait3A_22 = arith.constant 0 : i32
      %dma_wait3A_23 = tpu.memref_slice %arg9[%mul3A_9, %dma_wait3A_22] : memref<10240x8xf32, #tpu.memory_space<vmem_shared>> -> memref<640x8xf32, #tpu.memory_space<vmem_shared>>
      %dma_wait3A_24 = arith.constant 0 : i32
      %dma_wait3A_25 = tpu.memref_slice %arg4[%mul3A_7, %dma_wait3A_24] : memref<10240x8xf32, #tpu.memory_space<hbm>> -> memref<640x8xf32, #tpu.memory_space<hbm>>
      tpu.wait_dma2 semaphore(%run_scoped3A_17 : memref<!tpu.dma_semaphore, #tpu.memory_space<semaphore_mem>>) src(%dma_wait3A_25 : memref<640x8xf32, #tpu.memory_space<hbm>>) dst(%dma_wait3A_23 : memref<640x8xf32, #tpu.memory_space<vmem_shared>>)
      tpu.yield
    }) : () -> ()
    %dma_wait3A = arith.constant 0 : i32
    %dma_wait3A_10 = arith.constant 0 : i32
    %dma_wait3A_11 = tpu.memref_slice %arg3[%dma_wait3A, %dma_wait3A_10] : memref<10000x8xf32, #tpu.memory_space<hbm>> -> memref<10000x8xf32, #tpu.memory_space<hbm>>
    tpu.wait_indirect_dma semaphore(%arg10 : memref<!tpu.dma_semaphore, #tpu.memory_space<semaphore_mem>>) src(%dma_wait3A_11 : memref<10000x8xf32, #tpu.memory_space<hbm>>) dst(%arg8 : memref<10000x8xf32, #tpu.memory_space<vmem>>)
    %barrier3A = arith.constant 0 : index
    tpu.barrier barrier_id(%barrier3A)
    "tpu.region"() ({
      %run_scoped3A_17 = tpu.sem_alloc : memref<!tpu.dma_semaphore, #tpu.memory_space<semaphore_mem>>
      %dma_start3A_18 = arith.constant 0 : i32
      %dma_start3A_19 = arith.constant 0 : i32
      %dma_start3A_20 = tpu.memref_slice %arg9[%dma_start3A_18, %dma_start3A_19] : memref<10240x8xf32, #tpu.memory_space<vmem_shared>> -> memref<10240x8xf32, #tpu.memory_space<vmem_shared>>
      tpu.enqueue_indirect_dma source(%arg8 : memref<10000x8xf32, #tpu.memory_space<vmem>>) target(%dma_start3A_20 : memref<10240x8xf32, #tpu.memory_space<vmem_shared>>) offsets(%arg7 : memref<10000xi32, #tpu.memory_space<vmem>>) semaphore(%run_scoped3A_17 : memref<!tpu.dma_semaphore, #tpu.memory_space<semaphore_mem>>) {add = true}
      %dma_wait3A_21 = arith.constant 0 : i32
      %dma_wait3A_22 = arith.constant 0 : i32
      %dma_wait3A_23 = tpu.memref_slice %arg9[%dma_wait3A_21, %dma_wait3A_22] : memref<10240x8xf32, #tpu.memory_space<vmem_shared>> -> memref<10240x8xf32, #tpu.memory_space<vmem_shared>>
      tpu.wait_indirect_dma semaphore(%run_scoped3A_17 : memref<!tpu.dma_semaphore, #tpu.memory_space<semaphore_mem>>) src(%arg8 : memref<10000x8xf32, #tpu.memory_space<vmem>>) dst(%dma_wait3A_23 : memref<10240x8xf32, #tpu.memory_space<vmem_shared>>)
      tpu.yield
    }) : () -> ()
    %barrier3A_12 = arith.constant 0 : index
    tpu.barrier barrier_id(%barrier3A_12)
    %mul3A_13 = arith.constant 640 : i32
    %mul3A_14 = arith.muli %arg1, %mul3A_13 : i32
    %mul3A_15 = arith.constant 640 : i32
    %mul3A_16 = arith.muli %arg1, %mul3A_15 : i32
    "tpu.region"() ({
      %run_scoped3A_17 = tpu.sem_alloc : memref<!tpu.dma_semaphore, #tpu.memory_space<semaphore_mem>>
      %dma_start3A_18 = arith.constant 0 : i32
      %dma_start3A_19 = tpu.memref_slice %arg5[%arg0, %mul3A_16, %dma_start3A_18] : memref<2x10240x8xf32, #tpu.memory_space<hbm>> -> memref<1x640x8xf32, #tpu.memory_space<hbm>>
      %dma_start3A_20 = tpu.memref_squeeze %dma_start3A_19 : memref<1x640x8xf32, #tpu.memory_space<hbm>> -> memref<640x8xf32, #tpu.memory_space<hbm>>
      %dma_start3A_21 = arith.constant 0 : i32
      %dma_start3A_22 = tpu.memref_slice %arg9[%mul3A_14, %dma_start3A_21] : memref<10240x8xf32, #tpu.memory_space<vmem_shared>> -> memref<640x8xf32, #tpu.memory_space<vmem_shared>>
      tpu.enqueue_dma source(%dma_start3A_22 : memref<640x8xf32, #tpu.memory_space<vmem_shared>>) target(%dma_start3A_20 : memref<640x8xf32, #tpu.memory_space<hbm>>) target_semaphore(%run_scoped3A_17 : memref<!tpu.dma_semaphore, #tpu.memory_space<semaphore_mem>>)
      %dma_wait3A_23 = arith.constant 0 : i32
      %dma_wait3A_24 = tpu.memref_slice %arg5[%arg0, %mul3A_16, %dma_wait3A_23] : memref<2x10240x8xf32, #tpu.memory_space<hbm>> -> memref<1x640x8xf32, #tpu.memory_space<hbm>>
      %dma_wait3A_25 = tpu.memref_squeeze %dma_wait3A_24 : memref<1x640x8xf32, #tpu.memory_space<hbm>> -> memref<640x8xf32, #tpu.memory_space<hbm>>
      %dma_wait3A_26 = arith.constant 0 : i32
      %dma_wait3A_27 = tpu.memref_slice %arg9[%mul3A_14, %dma_wait3A_26] : memref<10240x8xf32, #tpu.memory_space<vmem_shared>> -> memref<640x8xf32, #tpu.memory_space<vmem_shared>>
      tpu.wait_dma2 semaphore(%run_scoped3A_17 : memref<!tpu.dma_semaphore, #tpu.memory_space<semaphore_mem>>) src(%dma_wait3A_27 : memref<640x8xf32, #tpu.memory_space<vmem_shared>>) dst(%dma_wait3A_25 : memref<640x8xf32, #tpu.memory_space<hbm>>)
      tpu.yield
    }) : () -> ()
    return
  }
}

module attributes {stable_mosaic.version = 14 : i64} {
  func.func @_tc1_body(%arg0: memref<10000x128xf32, #tpu.memory_space<vmem>>, %arg1: memref<128x3xf32, #tpu.memory_space<vmem>>, %arg2: memref<128x3xf32, #tpu.memory_space<vmem>>, %arg3: memref<1x3xf32, #tpu.memory_space<vmem>>, %arg4: memref<2x10240x8xf32, #tpu.memory_space<vmem>>, %arg5: memref<10000x8xf32, #tpu.memory_space<vmem>>, %arg6: memref<10000x3xf32, #tpu.memory_space<vmem>>, %arg7: memref<10000x1xf32, #tpu.memory_space<vmem>>) attributes {dimension_semantics = [], scalar_prefetch = 0 : i64, scratch_operands = 0 : i64, tpu.core_type = #tpu.core_type<tc>} {
    %get3A = arith.constant 0 : index
    %get3A_0 = arith.constant 0 : index
    %get3A_1 = arith.constant 0 : index
    %get3A_2 = vector.load %arg4[%get3A, %get3A_0, %get3A_1] : memref<2x10240x8xf32, #tpu.memory_space<vmem>>, vector<2x10240x8xf32>
    %slice3A = vector.extract_strided_slice %get3A_2 {offsets = [0, 0, 0], sizes = [1, 10000, 1], strides = [1, 1, 1]} : vector<2x10240x8xf32> to vector<1x10000x1xf32>
    %squeeze3A = vector.shape_cast %slice3A : vector<1x10000x1xf32> to vector<10000x1xf32>
    %slice3A_3 = vector.extract_strided_slice %get3A_2 {offsets = [1, 0, 0], sizes = [1, 10000, 1], strides = [1, 1, 1]} : vector<2x10240x8xf32> to vector<1x10000x1xf32>
    %squeeze3A_4 = vector.shape_cast %slice3A_3 : vector<1x10000x1xf32> to vector<10000x1xf32>
    %add3A = arith.addf %squeeze3A, %squeeze3A_4 : vector<10000x1xf32>
    %gt3A = arith.constant 0.000000e+00 : f32
    %gt3A_5 = vector.broadcast %gt3A : f32 to vector<10000x1xf32>
    %gt3A_6 = arith.cmpf ogt, %add3A, %gt3A_5 : vector<10000x1xf32>
    %rsqrt3A = math.rsqrt %add3A : vector<10000x1xf32>
    %jit3A = arith.constant 0.000000e+00 : f32
    %broadcast_in_dim3A = vector.broadcast %jit3A : f32 to vector<10000x1xf32>
    %select_n3A = arith.select %gt3A_6, %rsqrt3A, %broadcast_in_dim3A : vector<10000x1xi1>, vector<10000x1xf32>
    %get3A_7 = arith.constant 0 : index
    %get3A_8 = arith.constant 0 : index
    %get3A_9 = vector.load %arg0[%get3A_7, %get3A_8] : memref<10000x128xf32, #tpu.memory_space<vmem>>, vector<10000x128xf32>
    %get3A_10 = arith.constant 0 : index
    %get3A_11 = arith.constant 0 : index
    %get3A_12 = vector.load %arg2[%get3A_10, %get3A_11] : memref<128x3xf32, #tpu.memory_space<vmem>>, vector<128x3xf32>
    %dot_general3A = arith.constant dense<0.000000e+00> : vector<10000x3xf32>
    %dot_general3A_13 = tpu.matmul %get3A_9, %get3A_12, %dot_general3A {dimension_numbers = #tpu.dot_dimension_numbers<[1], [0], [0], [1], [0, 0, 1, 1], [], []>, transpose_lhs_hint = false} : vector<10000x128xf32>, vector<128x3xf32>, vector<10000x3xf32> -> vector<10000x3xf32>
    %get3A_14 = arith.constant 0 : index
    %get3A_15 = arith.constant 0 : index
    %get3A_16 = vector.load %arg1[%get3A_14, %get3A_15] : memref<128x3xf32, #tpu.memory_space<vmem>>, vector<128x3xf32>
    %dot_general3A_17 = arith.constant dense<0.000000e+00> : vector<10000x3xf32>
    %dot_general3A_18 = tpu.matmul %get3A_9, %get3A_16, %dot_general3A_17 {dimension_numbers = #tpu.dot_dimension_numbers<[1], [0], [0], [1], [0, 0, 1, 1], [], []>, transpose_lhs_hint = false} : vector<10000x128xf32>, vector<128x3xf32>, vector<10000x3xf32> -> vector<10000x3xf32>
    %mul3A = vector.broadcast %select_n3A : vector<10000x1xf32> to vector<10000x3xf32>
    %mul3A_19 = arith.mulf %mul3A, %dot_general3A_13 : vector<10000x3xf32>
    %broadcast_in_dim3A_20 = arith.constant 0.000000e+00 : f32
    %broadcast_in_dim3A_21 = vector.broadcast %broadcast_in_dim3A_20 : f32 to vector<10000x5xf32>
    %concatenate3A = tpu.concatenate %mul3A_19, %broadcast_in_dim3A_21 in 1 : vector<10000x3xf32>, vector<10000x5xf32> -> vector<10000x8xf32>
    %swap3A = arith.constant 0 : index
    %swap3A_22 = arith.constant 0 : index
    %swap3A_23 = vector.load %arg5[%swap3A, %swap3A_22] : memref<10000x8xf32, #tpu.memory_space<vmem>>, vector<10000x8xf32>
    tpu.vector_store %arg5[%swap3A, %swap3A_22], %concatenate3A {strides = array<i32>} : memref<10000x8xf32, #tpu.memory_space<vmem>>, vector<10000x8xf32>,
    %get3A_24 = arith.constant 0 : index
    %get3A_25 = arith.constant 0 : index
    %get3A_26 = vector.load %arg3[%get3A_24, %get3A_25] : memref<1x3xf32, #tpu.memory_space<vmem>>, vector<1x3xf32>
    %add3A_27 = vector.broadcast %get3A_26 : vector<1x3xf32> to vector<10000x3xf32>
    %add3A_28 = arith.addf %dot_general3A_18, %add3A_27 : vector<10000x3xf32>
    %swap3A_29 = arith.constant 0 : index
    %swap3A_30 = arith.constant 0 : index
    %swap3A_31 = vector.load %arg6[%swap3A_29, %swap3A_30] : memref<10000x3xf32, #tpu.memory_space<vmem>>, vector<10000x3xf32>
    tpu.vector_store %arg6[%swap3A_29, %swap3A_30], %add3A_28 {strides = array<i32>} : memref<10000x3xf32, #tpu.memory_space<vmem>>, vector<10000x3xf32>,
    %swap3A_32 = arith.constant 0 : index
    %swap3A_33 = arith.constant 0 : index
    %swap3A_34 = vector.load %arg7[%swap3A_32, %swap3A_33] : memref<10000x1xf32, #tpu.memory_space<vmem>>, vector<10000x1xf32>
    tpu.vector_store %arg7[%swap3A_32, %swap3A_33], %select_n3A {strides = array<i32>} : memref<10000x1xf32, #tpu.memory_space<vmem>>, vector<10000x1xf32>,
    return
  }
}

module attributes {stable_mosaic.version = 14 : i64} {
  func.func @_tc2_body(%arg0: memref<2x10240x8xf32, #tpu.memory_space<vmem>>, %arg1: memref<10000x1xf32, #tpu.memory_space<vmem>>, %arg2: memref<10000x3xf32, #tpu.memory_space<vmem>>, %arg3: memref<10000x8xf32, #tpu.memory_space<vmem>>, %arg4: memref<10000x3xf32, #tpu.memory_space<vmem>>) attributes {dimension_semantics = [], scalar_prefetch = 0 : i64, scratch_operands = 0 : i64, tpu.core_type = #tpu.core_type<tc>} {
    %get3A = arith.constant 0 : index
    %get3A_0 = arith.constant 0 : index
    %get3A_1 = arith.constant 0 : index
    %get3A_2 = vector.load %arg0[%get3A, %get3A_0, %get3A_1] : memref<2x10240x8xf32, #tpu.memory_space<vmem>>, vector<2x10240x8xf32>
    %get3A_3 = arith.constant 0 : index
    %get3A_4 = arith.constant 0 : index
    %get3A_5 = vector.load %arg1[%get3A_3, %get3A_4] : memref<10000x1xf32, #tpu.memory_space<vmem>>, vector<10000x1xf32>
    %neg3A = arith.constant 0.000000e+00 : f32
    %neg3A_6 = vector.broadcast %neg3A : f32 to vector<10000x1xf32>
    %neg3A_7 = arith.subf %neg3A_6, %get3A_5 : vector<10000x1xf32>
    %slice3A = vector.extract_strided_slice %get3A_2 {offsets = [0, 0, 0], sizes = [1, 10000, 3], strides = [1, 1, 1]} : vector<2x10240x8xf32> to vector<1x10000x3xf32>
    %squeeze3A = vector.shape_cast %slice3A : vector<1x10000x3xf32> to vector<10000x3xf32>
    %slice3A_8 = vector.extract_strided_slice %get3A_2 {offsets = [1, 0, 0], sizes = [1, 10000, 3], strides = [1, 1, 1]} : vector<2x10240x8xf32> to vector<1x10000x3xf32>
    %squeeze3A_9 = vector.shape_cast %slice3A_8 : vector<1x10000x3xf32> to vector<10000x3xf32>
    %add3A = arith.addf %squeeze3A, %squeeze3A_9 : vector<10000x3xf32>
    %mul3A = vector.broadcast %neg3A_7 : vector<10000x1xf32> to vector<10000x3xf32>
    %mul3A_10 = arith.mulf %mul3A, %add3A : vector<10000x3xf32>
    %get3A_11 = arith.constant 0 : index
    %get3A_12 = arith.constant 0 : index
    %get3A_13 = vector.load %arg2[%get3A_11, %get3A_12] : memref<10000x3xf32, #tpu.memory_space<vmem>>, vector<10000x3xf32>
    %add3A_14 = arith.addf %get3A_13, %mul3A_10 : vector<10000x3xf32>
    %max3A = arith.constant 0.000000e+00 : f32
    %max3A_15 = vector.broadcast %max3A : f32 to vector<10000x3xf32>
    %max3A_16 = arith.maximumf %add3A_14, %max3A_15 : vector<10000x3xf32>
    %mul3A_17 = vector.broadcast %get3A_5 : vector<10000x1xf32> to vector<10000x3xf32>
    %mul3A_18 = arith.mulf %mul3A_17, %max3A_16 : vector<10000x3xf32>
    %broadcast_in_dim3A = arith.constant 0.000000e+00 : f32
    %broadcast_in_dim3A_19 = vector.broadcast %broadcast_in_dim3A : f32 to vector<10000x5xf32>
    %concatenate3A = tpu.concatenate %mul3A_18, %broadcast_in_dim3A_19 in 1 : vector<10000x3xf32>, vector<10000x5xf32> -> vector<10000x8xf32>
    %swap3A = arith.constant 0 : index
    %swap3A_20 = arith.constant 0 : index
    %swap3A_21 = vector.load %arg3[%swap3A, %swap3A_20] : memref<10000x8xf32, #tpu.memory_space<vmem>>, vector<10000x8xf32>
    tpu.vector_store %arg3[%swap3A, %swap3A_20], %concatenate3A {strides = array<i32>} : memref<10000x8xf32, #tpu.memory_space<vmem>>, vector<10000x8xf32>,
    %swap3A_22 = arith.constant 0 : index
    %swap3A_23 = arith.constant 0 : index
    %swap3A_24 = vector.load %arg4[%swap3A_22, %swap3A_23] : memref<10000x3xf32, #tpu.memory_space<vmem>>, vector<10000x3xf32>
    tpu.vector_store %arg4[%swap3A_22, %swap3A_23], %max3A_16 {strides = array<i32>} : memref<10000x3xf32, #tpu.memory_space<vmem>>, vector<10000x3xf32>,
    return
  }
}

module attributes {stable_mosaic.version = 14 : i64} {
  func.func @_tc3_body(%arg0: memref<2x10240x8xf32, #tpu.memory_space<vmem>>, %arg1: memref<10000x1xf32, #tpu.memory_space<vmem>>, %arg2: memref<10000x3xf32, #tpu.memory_space<vmem>>, %arg3: memref<3x128xf32, #tpu.memory_space<vmem>>, %arg4: memref<1x128xf32, #tpu.memory_space<vmem>>, %arg5: memref<3x128xf32, #tpu.memory_space<vmem>>, %arg6: memref<128x128xf32, #tpu.memory_space<vmem>>, %arg7: memref<1x128xf32, #tpu.memory_space<vmem>>, %arg8: memref<10000x128xf32, #tpu.memory_space<vmem>>) attributes {dimension_semantics = [], scalar_prefetch = 0 : i64, scratch_operands = 0 : i64, tpu.core_type = #tpu.core_type<tc>} {
    %get3A = arith.constant 0 : index
    %get3A_0 = arith.constant 0 : index
    %get3A_1 = arith.constant 0 : index
    %get3A_2 = vector.load %arg0[%get3A, %get3A_0, %get3A_1] : memref<2x10240x8xf32, #tpu.memory_space<vmem>>, vector<2x10240x8xf32>
    %get3A_3 = arith.constant 0 : index
    %get3A_4 = arith.constant 0 : index
    %get3A_5 = vector.load %arg1[%get3A_3, %get3A_4] : memref<10000x1xf32, #tpu.memory_space<vmem>>, vector<10000x1xf32>
    %neg3A = arith.constant 0.000000e+00 : f32
    %neg3A_6 = vector.broadcast %neg3A : f32 to vector<10000x1xf32>
    %neg3A_7 = arith.subf %neg3A_6, %get3A_5 : vector<10000x1xf32>
    %slice3A = vector.extract_strided_slice %get3A_2 {offsets = [0, 0, 0], sizes = [1, 10000, 3], strides = [1, 1, 1]} : vector<2x10240x8xf32> to vector<1x10000x3xf32>
    %squeeze3A = vector.shape_cast %slice3A : vector<1x10000x3xf32> to vector<10000x3xf32>
    %slice3A_8 = vector.extract_strided_slice %get3A_2 {offsets = [1, 0, 0], sizes = [1, 10000, 3], strides = [1, 1, 1]} : vector<2x10240x8xf32> to vector<1x10000x3xf32>
    %squeeze3A_9 = vector.shape_cast %slice3A_8 : vector<1x10000x3xf32> to vector<10000x3xf32>
    %add3A = arith.addf %squeeze3A, %squeeze3A_9 : vector<10000x3xf32>
    %mul3A = vector.broadcast %neg3A_7 : vector<10000x1xf32> to vector<10000x3xf32>
    %mul3A_10 = arith.mulf %mul3A, %add3A : vector<10000x3xf32>
    %get3A_11 = arith.constant 0 : index
    %get3A_12 = arith.constant 0 : index
    %get3A_13 = vector.load %arg2[%get3A_11, %get3A_12] : memref<10000x3xf32, #tpu.memory_space<vmem>>, vector<10000x3xf32>
    %get3A_14 = arith.constant 0 : index
    %get3A_15 = arith.constant 0 : index
    %get3A_16 = vector.load %arg3[%get3A_14, %get3A_15] : memref<3x128xf32, #tpu.memory_space<vmem>>, vector<3x128xf32>
    %dot_general3A = arith.constant dense<0.000000e+00> : vector<10000x128xf32>
    %dot_general3A_17 = tpu.matmul %get3A_13, %get3A_16, %dot_general3A {dimension_numbers = #tpu.dot_dimension_numbers<[1], [0], [0], [1], [0, 0, 1, 1], [], []>, transpose_lhs_hint = false} : vector<10000x3xf32>, vector<3x128xf32>, vector<10000x128xf32> -> vector<10000x128xf32>
    %get3A_18 = arith.constant 0 : index
    %get3A_19 = arith.constant 0 : index
    %get3A_20 = vector.load %arg5[%get3A_18, %get3A_19] : memref<3x128xf32, #tpu.memory_space<vmem>>, vector<3x128xf32>
    %dot_general3A_21 = arith.constant dense<0.000000e+00> : vector<10000x128xf32>
    %dot_general3A_22 = tpu.matmul %mul3A_10, %get3A_20, %dot_general3A_21 {dimension_numbers = #tpu.dot_dimension_numbers<[1], [0], [0], [1], [0, 0, 1, 1], [], []>, transpose_lhs_hint = false} : vector<10000x3xf32>, vector<3x128xf32>, vector<10000x128xf32> -> vector<10000x128xf32>
    %add3A_23 = arith.addf %dot_general3A_17, %dot_general3A_22 : vector<10000x128xf32>
    %get3A_24 = arith.constant 0 : index
    %get3A_25 = arith.constant 0 : index
    %get3A_26 = vector.load %arg4[%get3A_24, %get3A_25] : memref<1x128xf32, #tpu.memory_space<vmem>>, vector<1x128xf32>
    %add3A_27 = vector.broadcast %get3A_26 : vector<1x128xf32> to vector<10000x128xf32>
    %add3A_28 = arith.addf %add3A_23, %add3A_27 : vector<10000x128xf32>
    %max3A = arith.constant 0.000000e+00 : f32
    %max3A_29 = vector.broadcast %max3A : f32 to vector<10000x128xf32>
    %max3A_30 = arith.maximumf %add3A_28, %max3A_29 : vector<10000x128xf32>
    %get3A_31 = arith.constant 0 : index
    %get3A_32 = arith.constant 0 : index
    %get3A_33 = vector.load %arg6[%get3A_31, %get3A_32] : memref<128x128xf32, #tpu.memory_space<vmem>>, vector<128x128xf32>
    %dot_general3A_34 = arith.constant dense<0.000000e+00> : vector<10000x128xf32>
    %dot_general3A_35 = tpu.matmul %max3A_30, %get3A_33, %dot_general3A_34 {dimension_numbers = #tpu.dot_dimension_numbers<[1], [0], [0], [1], [0, 0, 1, 1], [], []>, transpose_lhs_hint = false} : vector<10000x128xf32>, vector<128x128xf32>, vector<10000x128xf32> -> vector<10000x128xf32>
    %get3A_36 = arith.constant 0 : index
    %get3A_37 = arith.constant 0 : index
    %get3A_38 = vector.load %arg7[%get3A_36, %get3A_37] : memref<1x128xf32, #tpu.memory_space<vmem>>, vector<1x128xf32>
    %add3A_39 = vector.broadcast %get3A_38 : vector<1x128xf32> to vector<10000x128xf32>
    %add3A_40 = arith.addf %dot_general3A_35, %add3A_39 : vector<10000x128xf32>
    %swap3A = arith.constant 0 : index
    %swap3A_41 = arith.constant 0 : index
    %swap3A_42 = vector.load %arg8[%swap3A, %swap3A_41] : memref<10000x128xf32, #tpu.memory_space<vmem>>, vector<10000x128xf32>
    tpu.vector_store %arg8[%swap3A, %swap3A_41], %add3A_40 {strides = array<i32>} : memref<10000x128xf32, #tpu.memory_space<vmem>>, vector<10000x128xf32>,
    return
  }
}

</mosaic_0001>

<sc_bundles>
// kernel: kernel.11.cloned.1.call-start
scs
__scs_entry_jumppad:
0x0: {  	(pc) =	sbr.rel $0x88, $3  }
0x1: {  	(tag) =	ssettag $0x0;
	lr =	simm.s32 $0x1  }
0x2: {  	[smem:$0x3F97] =	sst lr;
	_ =	strace $0xD0000000  }
0x3: {  	_ = 	snop  }
0x4: {  	_ = 	snop  }
0x5: {  	_ = 	snop  }
0x6: {  	_ = 	snop  }
0x7: {  	_ = 	snop  }
__scs_overlays_trampoline_lowered:
0x8: {  	[smem:$0x3FA6] =	sst s0  }
0x9: {  	[smem:$0x3FA7] =	sst s1  }
0xa: {  	[smem:$0x3FA8] =	sst s2  }
0xb: {  	[smem:$0x3FA9] =	sst s3  }
0xc: {  	[smem:$0x3FAA] =	sst s4  }
0xd: {  	[smem:$0x3FAB] =	sst s5  }
0xe: {  	[smem:$0x3FAC] =	sst s6  }
0xf: {  	[smem:$0x3FAD] =	sst s7  }
0x10: {  	[smem:$0x3FAE] =	sst s8  }
0x11: {  	[smem:$0x3FAF] =	sst s9;
	s0 =	simm.s32 @!p0 $0x0  }
0x12: {  	s1 =	sld [smem:$0x3F95];
	s0 =	simm.s32 @p0 $0x1  }
0x13: {  	[smem:$0x3FB0] =	sst s0;
	s0 =	simm.s32 @!p1 $0x0  }
0x14: {  	s2 =	sld [smem:$0x3F94];
	s0 =	simm.s32 @p1 $0x1  }
0x15: {  	[smem:$0x3FB1] =	sst s0;
	s0 =	simm.s32 @!p2 $0x0  }
0x16: {  	s3 =	sld [smem:$0x3FDB];
	s0 =	simm.s32 @p2 $0x1  }
0x17: {  	s4 =	simm.s32 $0x1BF5;
	[smem:$0x3FB3] =	sst s0  }
0x18: {  	s0 =	sld [smem:$0x3F96];
	_ =	swait.ge [sflag:s4], $0x0  }
0x19: {  	s7 =	sld [smem:$0x3F97]  }
0x1a: {  	s8 =	sadd.s32 $0xFFFFE003, lr  }
0x1b: {  	s9 =	sadd.s32 $0xFFFFFEF7, lr;
	s5 =	simm.s32 $0xFFFFFFFF;
	p2 =	slt.u32 s8, $0xFFFFF086  }
0x1c: {  	p1 =	slt.u32 s9, $0xF7A;
	s5 =	simm.s32 @!p2 $0x0  }
0x1d: {  	s5 =	simm.s32 @p1 $0x1;
	p0 =	seq.s32 s7, s2  }
0x1e: {  	s7 =	smul.u32 @!p0 $0xF7A, s2;
	p2 =	seq.s32 @!p0 s5, $0x0  }
0x1f: {  	s9 =	smul.u32 $0xF7A, s1;
	s8 =	simm.s32 @!p0 $0x1BF5;
	p2 =	por !p2, p0  }
0x20: {  	[sflag:s8] =	ssyncset.s32 @!p0 $0xFFFFF086;
	s6 =	sadd.s32 @!p0 s3, s7;
	s7 =	simm.s32 @!p0 $0x108  }
0x21: {  	s3 =	sadd.s32 s3, s9;
	s6 =	sadd.s32 @!p0 $0x88, s6;
	s7 =	simm.s32 @p2 $0x1082  }
0x22: {  	[simem:s7], [sflag:s8] =	dma.local @!p0 [hbm:s6], $0xF7A  }
0x23: {  	s9 =	sor.u32 $0xD0000000, s2;
	s6 =	simm.s32 $0x108;
	_ =	swait.ge @!p0 [sflag:s8], $0x0  }
0x24: {  	s3 =	sadd.s32 $0x88, s3;
	s6 =	simm.s32 @!p1 $0x1082;
	[sflag:s4] =	ssyncset.s32 $0xFFFFF086  }
0x25: {  	[simem:s6], [sflag:s4] =	dma.local [hbm:s3], $0xF7A  }
0x26: {  	[smem:$0x3F97] =	sst s1;
	(tag) =	ssettag s2;
	_ =	strace s9  }
0x27: {  	s1 =	sld [smem:$0x3FA7]  }
0x28: {  	s2 =	sld [smem:$0x3FA8]  }
0x29: {  	s4 =	sld [smem:$0x3FAA]  }
0x2a: {  	p0 =	seq.s32 s5, $0x0;
	s5 =	sld [smem:$0x3FAB]  }
0x2b: {  	s6 =	sld [smem:$0x3FAC]  }
0x2c: {  	s7 =	sld [smem:$0x3FAD]  }
0x2d: {  	s3 =	simm.s32 $0x108;
	s8 =	sld [smem:$0x3FAE]  }
0x2e: {  	s3 =	simm.s32 @!p0 $0x1082;
	s9 =	sld [smem:$0x3FAF]  }
0x2f: {  	lr =	sadd.s32 s0, s3;
	s0 =	sld [smem:$0x3FA6]  }
0x30: {  	s3 =	sld [smem:$0x3FA9]  }
0x31: {  	[smem:$0x3FB2] =	sst s10  }
0x32: {  	s10 =	sld [smem:$0x3FB0];
	_ =	sdelay $0x3  }
0x33: {  	p0 =	seq.s32 s10, $0x1;
	s10 =	sld [smem:$0x3FB2];
	_ =	sdelay $0x3  }
0x34: {  	[smem:$0x3FB2] =	sst s10  }
0x35: {  	s10 =	sld [smem:$0x3FB1];
	_ =	sdelay $0x3  }
0x36: {  	p1 =	seq.s32 s10, $0x1;
	s10 =	sld [smem:$0x3FB2];
	_ =	sdelay $0x3  }
0x37: {  	[smem:$0x3FB2] =	sst s10  }
0x38: {  	s10 =	sld [smem:$0x3FB3]  }
0x39: {  	_ = 	snop;
	(pc) =	sbr.ind lr, $3  }
0x3a: {  	_ = 	snop  }
0x3b: {  	_ = 	snop  }
0x3c: {  	p2 =	seq.s32 s10, $0x1;
	s10 =	sld [smem:$0x3FB2]  }
0x3d: {  	_ =	shalt  }
0x3e: {  	_ =	shalt  }
0x3f: {  	_ =	shalt  }
0x40: {  	_ =	shalt  }
0x41: {  	_ =	shalt  }
0x42: {  	_ =	shalt  }
0x43: {  	_ =	shalt  }
0x44: {  	_ =	shalt  }
0x45: {  	_ =	shalt  }
0x46: {  	_ =	shalt  }
0x47: {  	_ =	shalt  }
0x48: {  	_ =	shalt  }
0x49: {  	_ =	shalt  }
0x4a: {  	_ =	shalt  }
0x4b: {  	_ =	shalt  }
0x4c: {  	_ =	shalt  }
0x4d: {  	_ =	shalt  }
0x4e: {  	_ =	shalt  }
0x4f: {  	_ =	shalt  }
0x50: {  	_ =	shalt  }
0x51: {  	_ =	shalt  }
0x52: {  	_ =	shalt  }
0x53: {  	_ =	shalt  }
0x54: {  	_ =	shalt  }
0x55: {  	_ =	shalt  }
0x56: {  	_ =	shalt  }
0x57: {  	_ =	shalt  }
0x58: {  	_ =	shalt  }
0x59: {  	_ =	shalt  }
0x5a: {  	_ =	shalt  }
0x5b: {  	_ =	shalt  }
0x5c: {  	_ =	shalt  }
0x5d: {  	_ =	shalt  }
0x5e: {  	_ =	shalt  }
0x5f: {  	_ =	shalt  }
0x60: {  	_ =	shalt  }
0x61: {  	_ =	shalt  }
0x62: {  	_ =	shalt  }
0x63: {  	_ =	shalt  }
0x64: {  	_ =	shalt  }
0x65: {  	_ =	shalt  }
0x66: {  	_ =	shalt  }
0x67: {  	_ =	shalt  }
0x68: {  	_ =	shalt  }
0x69: {  	_ =	shalt  }
0x6a: {  	_ =	shalt  }
0x6b: {  	_ =	shalt  }
0x6c: {  	_ =	shalt  }
0x6d: {  	_ =	shalt  }
0x6e: {  	_ =	shalt  }
0x6f: {  	_ =	shalt  }
0x70: {  	_ =	shalt  }
0x71: {  	_ =	shalt  }
0x72: {  	_ =	shalt  }
0x73: {  	_ =	shalt  }
0x74: {  	_ =	shalt  }
0x75: {  	_ =	shalt  }
0x76: {  	_ =	shalt  }
0x77: {  	_ =	shalt  }
0x78: {  	_ =	shalt  }
0x79: {  	_ =	shalt  }
0x7a: {  	_ =	shalt  }
0x7b: {  	_ =	shalt  }
0x7c: {  	_ =	shalt  }
0x7d: {  	_ =	shalt  }
0x7e: {  	_ =	shalt  }
0x7f: {  	_ =	shalt  }
0x80: {  	_ =	shalt  }
0x81: {  	_ =	shalt  }
0x82: {  	_ =	shalt  }
0x83: {  	_ =	shalt  }
0x84: {  	_ =	shalt  }
0x85: {  	_ =	shalt  }
0x86: {  	_ =	shalt  }
0x87: {  	_ =	shalt  }
.Lfunc_end0:
.L_simem_size_0:
called_computation.1_lowered:
.L_overlay_start_0:
0x88: {  	s2 =	sld [smem:$0x3FD9]  }
0x89: {  	s3 =	sld [smem:$0x3FFE];
	_ =	sdelay $0x1  }
0x8a: {  	s1 =	srdreg.scid  }
0x8b: {  	s0 =	sand.u32 $0x1, s1  }
0x8c: {  	s17 =	sshll.u32 s0, $0xA;
	s2 =	sadd.s32 s3, s2  }
0x8d: {  	s2 =	sadd.s32 s2, s17  }
0x8e: {  	[smem:$0x3FBE] =	sst s2  }
0x8f: {  	_ = 	snop  }
0x90: {  	s2 =	sld [smem:$0x3FD0];
	(tm) =	ssettm $0x1  }
0x91: {  	s18 =	sld [smem:$0x3FFB];
	_ =	sdelay $0x3  }
0x92: {  	_ =	strace s18  }
0x93: {  	s3 =	sld [smem:$0x3FFC];
	_ =	sdelay $0x3  }
0x94: {  	_ =	strace s3  }
0x95: {  	s3 =	sld [smem:$0x3FFD];
	_ =	sdelay $0x3  }
0x96: {  	_ =	strace s3  }
0x97: {  	_ =	strace $0x8FFFFFFF  }
0x98: {  	s19 =	sld [smem:$0x3FDB];
	_ =	sdelay $0x1  }
0x99: {  	s4 =	simm.s32 $_scs_section_size  }
0x9a: {  	s5 =	simm.s32 $_size__tile_overlayer_lowered;
	s6 =	simm.s32 $_tile_overlayer_lowered  }
0x9b: {  	s22 =	simm.s32 $0x1BFF;
	s21 =	sshll.u32 s6, $0x1;
	s3 =	sadd.s32 s4, s19  }
0x9c: {  	s7 =	simm.s32 $0x0;
	s20 =	sshll.u32 s5, $0x1;
	s5 =	sadd.s32 s21, s3  }
0x9d: {  	[timem:s7], [sflag:s22] =	dma.local [hbm:s5], s20  }
0x9e: {  	_ =	swait.ge [sflag:s22], s20  }
0x9f: {  	s4 =	ssub.s32 $0x0, s20;
	[sflag:s22] =	ssyncset.done $0x0  }
0xa0: {  	[sflag:s22] =	ssyncadd.s32 s4;
	_ =	sdelay $0x1  }
0xa1: {  	s23 =	simm.s32 $0x1B8B  }
0xa2: {  	_ =	swait.ge [sflag:s23], $0x1  }
0xa3: {  	[sflag:s23] =	ssyncset.done $0x0  }
0xa4: {  	s25 =	simm.s32 $0x1B8E;
	s24 =	sld [smem:$0x3FFE];
	[sflag:s23] =	ssyncadd.s32 $0xFFFFFFFF  }
0xa5: {  	s26 =	simm.s32 $execute0_lowered;
	[smem:$0x3FD2] =	sst s25  }
0xa6: {  	s5 =	sshll.u32 s26, $0x1;
	_ =	strace $0x80000049;
	[dreg:$0x1] =	wrdreg $0xFFFFFFFF  }
0xa7: {  	s28 =	simm.s32 $_size_execute0_lowered;
	s3 =	sadd.s32 s3, s5;
	[dreg:$0x0] =	wrdreg $0x0  }
0xa8: {  	s5 =	sshll.u32 s28, $0x1;
	[dreg:$0x2] =	wrdreg s3  }
0xa9: {  	[dreg:$0x3] =	wrdreg s5  }
0xaa: {  	[dreg:$0x4] =	wrdreg $0xC0  }
0xab: {  	_ =	task [dreg:s7], $0x5FFFF  }
0xac: {  	[dreg:$0x1] =	wrdreg $0xFFFFFFFF  }
0xad: {  	[dreg:$0x0] =	wrdreg $0x60  }
0xae: {  	[dreg:$0x2] =	wrdreg s2  }
0xaf: {  	[dreg:$0x3] =	wrdreg s24  }
0xb0: {  	[dreg:$0x4] =	wrdreg $0x186A00  }
0xb1: {  	[dreg:$0x5] =	wrdreg $0x9  }
0xb2: {  	_ =	task.clear_ibuf [dreg:s7], $0x6FFFF;
	_ =	strace $0x90000049  }
0xb3: {  	s29 =	simm.s32 $0x9;
	_ =	strace $0x8000004B  }
0xb4: {  	_ =	swait.ge [sflag:s29], $0x1  }
0xb5: {  	[sflag:s29] =	ssyncadd.s32 $0xFFFFFFFF  }
0xb6: {  	_ =	strace $0x9000004B  }
0xb7: {  	_ =	sfence  }
0xb8: {  	s30 =	sld [smem:$0x0];
	_ =	sdelay $0x2  }
0xb9: {  	s31 =	sshll.u32 s1, $0xD;
	s1 =	sshrl.u32 s1, $0x2  }
0xba: {  	s3 =	sand.u32 $0x4000, s31;
	s1 =	sadd.s32 s1, s30  }
0xbb: {  	s0 =	sor.u32 s3, s0;
	s1 =	sshll.u32 s1, $0x11  }
0xbc: {  	s0 =	sor.u32 s1, s0  }
0xbd: {  	s0 =	sadd.s32 $0x8F2B, s0  }
0xbe: {  	[sflag:s0] =	ssyncadd.remote.s32 $0x1  }
0xbf: {  	_ =	sfence.sel $0xFFFF  }
0xc0: {  	[dreg:$0x0] =	wrdreg $0xFFFFFFFF;
	(pc) =	sbr.abs _section_cstart, $3  }
0xc1: {  	[dreg:$0x1] =	wrdreg $0xFFFFFFFF  }
0xc2: {  	_ =	task.clear_ibuf [dreg:s7], $0x2FFFF;
	_ =	strace $0x9FFFFFFF  }
0xc3: {  	(tm) =	ssettm $0x7FFFFFFF  }
tec
execute0_lowered:
.L_overlay_start_1:
0x0: {  	(tag) =	ssettag $0x1  }
0x1: {  	s0 =	srdreg.scid  }
0x2: {  	s14 =	sand.u32 $0x1, s0  }
0x3: {  	s4 =	rddreg [dreg:$0x0];
	s0 =	stileid.u32;
	s1 =	sshll.u32 s14, $0x4  }
0x4: {  	s15 =	rddreg [dreg:$0x1];
	s5 =	sor.u32 s0, s1  }
0x5: {  	s2 =	rddreg [dreg:$0x2];
	s3 =	simm.s32 $0x0;
	s5 =	smul.u32 $0x2710, s5  }
0x6: {  	[smem:$0x7FF] =	sst s3  }
0x7: {  	s16 =	smul.u32 $0x1400, s0;
	s1 =	rddreg [dreg:$0x3];
	s5 =	sshrl.u32 s5, $0x3  }
0x8: {  	_ =	strace $0x8000004A;
	s5 =	sadd.s32 s4, s5;
	s4 =	simm.s32 $0x2  }
0x9: {  	[tilespmem:s3], [sflag:$0x2] =	stream.linear.gather [hbm4b:s5+s3], $0x2710, $0x38;
	[tilespmem:$0x19AA0] =	vst v63  }
0xa: {  	s8 =	simm.s32 $0x2710;
	_ =	swait.ge [sflag:s4], $0x2710  }
0xb: {  	s10 =	simm.s32 $0x4E20;
	s7 =	sshrl.u32 s16, $0x3;
	[sflag:s4] =	ssyncset.done $0x0  }
0xc: {  	s9 =	sadd.s32 s7, s15;
	s7 =	sadd.s32 $0x9C40, s5;
	[sflag:s4] =	ssyncadd.s32 $0xFFFFD8F0  }
0xd: {  	[tilespmem:s8], [sflag:$0x2] =	stream.linear.gather [hbm4b:s7+s3], $0x2710, $0x38;
	[tilespmem:$0x19AA0] =	vst v63  }
0xe: {  	s6 =	sadd.s32 $0x2800, s15;
	s11 =	sshll.u32 s0, $0x6;
	_ =	swait.ge [sflag:s4], $0x2710  }
0xf: {  	s11 =	sor.u32 $0x1C02, s11;
	s12 =	sadd.s32 s16, s2;
	[sflag:s4] =	ssyncset.done $0x0  }
0x10: {  	s12 =	sshrl.u32 s12, $0x3;
	s9 =	sadd.s32 $0x5000, s9;
	[sflag:s4] =	ssyncadd.s32 $0xFFFFD8F0  }
0x11: {  	[tilespmem:s10], [sflag:$0x1] =	stream.indirect.gather [hbm4b:s6+s8], $0x8, s3, s8, $0xb8;
	[tilespmem:$0x19AA0] =	vst v63  }
0x12: {  	[spmem:s12], [sflag:s11] =	dma.local [hbm:s9], $0x280  }
0x13: {  	_ =	swait.ge [sflag:s4], $0x280  }
0x14: {  	[sflag:s4] =	ssyncset.done $0x0  }
0x15: {  	s13 =	simm.s32 $0x1;
	[sflag:s4] =	ssyncadd.s32 $0xFFFFFD80  }
0x16: {  	_ =	swait.ge [sflag:s13], $0x13880  }
0x17: {  	s17 =	smul.u32 $0x14000, s14;
	s14 =	ssub.s32 $0x2, s14;
	[sflag:s13] =	ssyncset.done $0x0  }
0x18: {  	s29 =	sshrl.u32 s14, $0x1;
	[sflag:s13] =	ssyncadd.s32 $0xFFFEC780  }
0x19: {  	s30 =	ssub.s32 s14, s29;
	[bflag:$0x0] =	sbarrier.arrive $0xFFFF  }
0x1a: {  	[spmem:s2] =	stream.indirect.scatter.add.f32 [tilespmem:s10], [sflag:$0x2], $0x8, s8, s8, $0xb8;
	[tilespmem:$0x19AA0] =	vst v63  }
0x1b: {  	s16 =	sadd.s32 s16, s17;
	s31 =	smax.u32 s30, $0x1;
	_ =	swait.ge [sflag:s4], $0x13880  }
0x1c: {  	s16 =	sshrl.u32 s16, $0x3;
	p0 =	sne.s32 s31, $0x1;
	[sflag:s4] =	ssyncset.done $0x0  }
.Ltmp0:
0x1d: {  	s15 =	sadd.s32 s16, s15;
	[sflag:s4] =	ssyncadd.s32 $0xFFFEC780;
	(pc) =	sbr.rel @!p0 .LBB2_2-.Ltmp0, $4  }
0x1e: {  	s14 =	sadd.s32 $0x7800, s15;
	[bflag:$0x0] =	sbarrier.arrive $0xFFFF  }
0x1f: {  	[hbm:s14], [sflag:s11] =	dma.local [spmem:s12], $0x280  }
0x20: {  	_ =	swait.ge [sflag:s4], $0x280  }
0x21: {  	s15 =	sadd.s32 $0xFFFFFFFF, s31;
	[sflag:s4] =	ssyncset.done $0x0  }
.LBB2_1:
0x22: {  	p0 =	sne.s32 s15, $0x1;
	s15 =	sadd.s32 $0xFFFFFFFF, s15;
	[sflag:s4] =	ssyncadd.s32 $0xFFFFFD80  }
0x23: {  	[tilespmem:s3], [sflag:$0x2] =	stream.linear.gather [hbm4b:s5+s3], $0x2710, $0x38;
	[tilespmem:$0x19AA0] =	vst v63  }
0x24: {  	_ =	swait.ge [sflag:s4], $0x2710  }
0x25: {  	[sflag:s4] =	ssyncset.done $0x0  }
0x26: {  	[sflag:s4] =	ssyncadd.s32 $0xFFFFD8F0  }
0x27: {  	[tilespmem:s8], [sflag:$0x2] =	stream.linear.gather [hbm4b:s7+s3], $0x2710, $0x38;
	[tilespmem:$0x19AA0] =	vst v63  }
0x28: {  	_ =	swait.ge [sflag:s4], $0x2710  }
0x29: {  	[sflag:s4] =	ssyncset.done $0x0  }
0x2a: {  	[sflag:s4] =	ssyncadd.s32 $0xFFFFD8F0  }
0x2b: {  	[tilespmem:s10], [sflag:$0x1] =	stream.indirect.gather [hbm4b:s6+s8], $0x8, s3, s8, $0xb8;
	[tilespmem:$0x19AA0] =	vst v63  }
0x2c: {  	[spmem:s12], [sflag:s11] =	dma.local [hbm:s9], $0x280  }
0x2d: {  	_ =	swait.ge [sflag:s4], $0x280  }
0x2e: {  	[sflag:s4] =	ssyncset.done $0x0  }
0x2f: {  	[sflag:s4] =	ssyncadd.s32 $0xFFFFFD80  }
0x30: {  	_ =	swait.ge [sflag:s13], $0x13880  }
0x31: {  	[sflag:s13] =	ssyncset.done $0x0  }
0x32: {  	[sflag:s13] =	ssyncadd.s32 $0xFFFEC780  }
0x33: {  	[bflag:$0x0] =	sbarrier.arrive $0xFFFF  }
0x34: {  	[spmem:s2] =	stream.indirect.scatter.add.f32 [tilespmem:s10], [sflag:$0x2], $0x8, s8, s8, $0xb8;
	[tilespmem:$0x19AA0] =	vst v63  }
0x35: {  	_ =	swait.ge [sflag:s4], $0x13880  }
0x36: {  	[sflag:s4] =	ssyncset.done $0x0  }
.Ltmp1:
0x37: {  	[sflag:s4] =	ssyncadd.s32 $0xFFFEC780;
	(pc) =	sbr.rel @p0 .LBB2_1-.Ltmp1, $4  }
0x38: {  	[bflag:$0x0] =	sbarrier.arrive $0xFFFF  }
0x39: {  	[hbm:s14], [sflag:s11] =	dma.local [spmem:s12], $0x280  }
0x3a: {  	_ =	swait.ge [sflag:s4], $0x280  }
0x3b: {  	[sflag:s4] =	ssyncset.done $0x0  }
.LBB2_2:
0x3c: {  	[sflag:s4] =	ssyncadd.s32 $0xFFFFFD80  }
0x3d: {  	_ =	sfence.sel $0x180000  }
0x3e: {  	[bflag:$0x0] =	sbarrier.arrive $0xFFFF  }
0x3f: {  	p0 =	sne.s32 s0, $0x0;
	_ =	strace $0x9000004A  }
0x40: {  	s0 =	sadd.s32 @!p0 $0x100000, s1;
	[bflag:$0x2] =	sbarrier.arrive $0xFFFF  }
0x41: {  	[sflag:s0] =	ssyncadd.tile.s32 @!p0 $0x1;
	_ =	shalt  }
.Lfunc_end2:
_tile_overlayer_lowered:
.L_overlay_start_2:
0x42: {  	(tag) =	ssettag $0x2  }
0x43: {  	s0 =	rddreg [dreg:$0x0];
	s2 =	stileid.u32  }
0x44: {  	s1 =	rddreg [dreg:$0x1];
	p0 =	sne.s32 s2, $0x0  }
0x45: {  	s3 =	rddreg [dreg:$0x2];
	[bflag:$0x3] =	sbarrier.arrive $0xFFFF;
	s2 =	simm.s32 @!p0 $0x1C02  }
0x46: {  	[timem:s3], [sflag:s2] =	dma.local @!p0 [hbm:s0], s1  }
0x47: {  	s0 =	simm.s32 @!p0 $0x2  }
0x48: {  	_ =	swait.ge @!p0 [sflag:s0], s1  }
0x49: {  	s1 =	ssub.s32 @!p0 $0x0, s1;
	[sflag:s0] =	ssyncset.done @!p0 $0x0  }
0x4a: {  	[sflag:s0] =	ssyncadd.s32 @!p0 s1  }
0x4b: {  	[bflag:$0x3] =	sbarrier.arrive $0xFFFF  }
0x4c: {  	_ =	shalt  }

// kernel: kernel.14.cloned.1.call-start
scs
__scs_entry_jumppad:
0x0: {  	(pc) =	sbr.rel $0x88, $3  }
0x1: {  	(tag) =	ssettag $0x0;
	lr =	simm.s32 $0x1  }
0x2: {  	[smem:$0x3F97] =	sst lr;
	_ =	strace $0xD0000000  }
0x3: {  	_ = 	snop  }
0x4: {  	_ = 	snop  }
0x5: {  	_ = 	snop  }
0x6: {  	_ = 	snop  }
0x7: {  	_ = 	snop  }
__scs_overlays_trampoline_lowered:
0x8: {  	[smem:$0x3FA6] =	sst s0  }
0x9: {  	[smem:$0x3FA7] =	sst s1  }
0xa: {  	[smem:$0x3FA8] =	sst s2  }
0xb: {  	[smem:$0x3FA9] =	sst s3  }
0xc: {  	[smem:$0x3FAA] =	sst s4  }
0xd: {  	[smem:$0x3FAB] =	sst s5  }
0xe: {  	[smem:$0x3FAC] =	sst s6  }
0xf: {  	[smem:$0x3FAD] =	sst s7  }
0x10: {  	[smem:$0x3FAE] =	sst s8  }
0x11: {  	[smem:$0x3FAF] =	sst s9;
	s0 =	simm.s32 @!p0 $0x0  }
0x12: {  	s1 =	sld [smem:$0x3F95];
	s0 =	simm.s32 @p0 $0x1  }
0x13: {  	[smem:$0x3FB0] =	sst s0;
	s0 =	simm.s32 @!p1 $0x0  }
0x14: {  	s2 =	sld [smem:$0x3F94];
	s0 =	simm.s32 @p1 $0x1  }
0x15: {  	[smem:$0x3FB1] =	sst s0;
	s0 =	simm.s32 @!p2 $0x0  }
0x16: {  	s3 =	sld [smem:$0x3FDB];
	s0 =	simm.s32 @p2 $0x1  }
0x17: {  	s4 =	simm.s32 $0x1BF5;
	[smem:$0x3FB3] =	sst s0  }
0x18: {  	s0 =	sld [smem:$0x3F96];
	_ =	swait.ge [sflag:s4], $0x0  }
0x19: {  	s7 =	sld [smem:$0x3F97]  }
0x1a: {  	s8 =	sadd.s32 $0xFFFFE003, lr  }
0x1b: {  	s9 =	sadd.s32 $0xFFFFFEF7, lr;
	s5 =	simm.s32 $0xFFFFFFFF;
	p2 =	slt.u32 s8, $0xFFFFF086  }
0x1c: {  	p1 =	slt.u32 s9, $0xF7A;
	s5 =	simm.s32 @!p2 $0x0  }
0x1d: {  	s5 =	simm.s32 @p1 $0x1;
	p0 =	seq.s32 s7, s2  }
0x1e: {  	s7 =	smul.u32 @!p0 $0xF7A, s2;
	p2 =	seq.s32 @!p0 s5, $0x0  }
0x1f: {  	s9 =	smul.u32 $0xF7A, s1;
	s8 =	simm.s32 @!p0 $0x1BF5;
	p2 =	por !p2, p0  }
0x20: {  	[sflag:s8] =	ssyncset.s32 @!p0 $0xFFFFF086;
	s6 =	sadd.s32 @!p0 s3, s7;
	s7 =	simm.s32 @!p0 $0x108  }
0x21: {  	s3 =	sadd.s32 s3, s9;
	s6 =	sadd.s32 @!p0 $0x88, s6;
	s7 =	simm.s32 @p2 $0x1082  }
0x22: {  	[simem:s7], [sflag:s8] =	dma.local @!p0 [hbm:s6], $0xF7A  }
0x23: {  	s9 =	sor.u32 $0xD0000000, s2;
	s6 =	simm.s32 $0x108;
	_ =	swait.ge @!p0 [sflag:s8], $0x0  }
0x24: {  	s3 =	sadd.s32 $0x88, s3;
	s6 =	simm.s32 @!p1 $0x1082;
	[sflag:s4] =	ssyncset.s32 $0xFFFFF086  }
0x25: {  	[simem:s6], [sflag:s4] =	dma.local [hbm:s3], $0xF7A  }
0x26: {  	[smem:$0x3F97] =	sst s1;
	(tag) =	ssettag s2;
	_ =	strace s9  }
0x27: {  	s1 =	sld [smem:$0x3FA7]  }
0x28: {  	s2 =	sld [smem:$0x3FA8]  }
0x29: {  	s4 =	sld [smem:$0x3FAA]  }
0x2a: {  	p0 =	seq.s32 s5, $0x0;
	s5 =	sld [smem:$0x3FAB]  }
0x2b: {  	s6 =	sld [smem:$0x3FAC]  }
0x2c: {  	s7 =	sld [smem:$0x3FAD]  }
0x2d: {  	s3 =	simm.s32 $0x108;
	s8 =	sld [smem:$0x3FAE]  }
0x2e: {  	s3 =	simm.s32 @!p0 $0x1082;
	s9 =	sld [smem:$0x3FAF]  }
0x2f: {  	lr =	sadd.s32 s0, s3;
	s0 =	sld [smem:$0x3FA6]  }
0x30: {  	s3 =	sld [smem:$0x3FA9]  }
0x31: {  	[smem:$0x3FB2] =	sst s10  }
0x32: {  	s10 =	sld [smem:$0x3FB0];
	_ =	sdelay $0x3  }
0x33: {  	p0 =	seq.s32 s10, $0x1;
	s10 =	sld [smem:$0x3FB2];
	_ =	sdelay $0x3  }
0x34: {  	[smem:$0x3FB2] =	sst s10  }
0x35: {  	s10 =	sld [smem:$0x3FB1];
	_ =	sdelay $0x3  }
0x36: {  	p1 =	seq.s32 s10, $0x1;
	s10 =	sld [smem:$0x3FB2];
	_ =	sdelay $0x3  }
0x37: {  	[smem:$0x3FB2] =	sst s10  }
0x38: {  	s10 =	sld [smem:$0x3FB3]  }
0x39: {  	_ = 	snop;
	(pc) =	sbr.ind lr, $3  }
0x3a: {  	_ = 	snop  }
0x3b: {  	_ = 	snop  }
0x3c: {  	p2 =	seq.s32 s10, $0x1;
	s10 =	sld [smem:$0x3FB2]  }
0x3d: {  	_ =	shalt  }
0x3e: {  	_ =	shalt  }
0x3f: {  	_ =	shalt  }
0x40: {  	_ =	shalt  }
0x41: {  	_ =	shalt  }
0x42: {  	_ =	shalt  }
0x43: {  	_ =	shalt  }
0x44: {  	_ =	shalt  }
0x45: {  	_ =	shalt  }
0x46: {  	_ =	shalt  }
0x47: {  	_ =	shalt  }
0x48: {  	_ =	shalt  }
0x49: {  	_ =	shalt  }
0x4a: {  	_ =	shalt  }
0x4b: {  	_ =	shalt  }
0x4c: {  	_ =	shalt  }
0x4d: {  	_ =	shalt  }
0x4e: {  	_ =	shalt  }
0x4f: {  	_ =	shalt  }
0x50: {  	_ =	shalt  }
0x51: {  	_ =	shalt  }
0x52: {  	_ =	shalt  }
0x53: {  	_ =	shalt  }
0x54: {  	_ =	shalt  }
0x55: {  	_ =	shalt  }
0x56: {  	_ =	shalt  }
0x57: {  	_ =	shalt  }
0x58: {  	_ =	shalt  }
0x59: {  	_ =	shalt  }
0x5a: {  	_ =	shalt  }
0x5b: {  	_ =	shalt  }
0x5c: {  	_ =	shalt  }
0x5d: {  	_ =	shalt  }
0x5e: {  	_ =	shalt  }
0x5f: {  	_ =	shalt  }
0x60: {  	_ =	shalt  }
0x61: {  	_ =	shalt  }
0x62: {  	_ =	shalt  }
0x63: {  	_ =	shalt  }
0x64: {  	_ =	shalt  }
0x65: {  	_ =	shalt  }
0x66: {  	_ =	shalt  }
0x67: {  	_ =	shalt  }
0x68: {  	_ =	shalt  }
0x69: {  	_ =	shalt  }
0x6a: {  	_ =	shalt  }
0x6b: {  	_ =	shalt  }
0x6c: {  	_ =	shalt  }
0x6d: {  	_ =	shalt  }
0x6e: {  	_ =	shalt  }
0x6f: {  	_ =	shalt  }
0x70: {  	_ =	shalt  }
0x71: {  	_ =	shalt  }
0x72: {  	_ =	shalt  }
0x73: {  	_ =	shalt  }
0x74: {  	_ =	shalt  }
0x75: {  	_ =	shalt  }
0x76: {  	_ =	shalt  }
0x77: {  	_ =	shalt  }
0x78: {  	_ =	shalt  }
0x79: {  	_ =	shalt  }
0x7a: {  	_ =	shalt  }
0x7b: {  	_ =	shalt  }
0x7c: {  	_ =	shalt  }
0x7d: {  	_ =	shalt  }
0x7e: {  	_ =	shalt  }
0x7f: {  	_ =	shalt  }
0x80: {  	_ =	shalt  }
0x81: {  	_ =	shalt  }
0x82: {  	_ =	shalt  }
0x83: {  	_ =	shalt  }
0x84: {  	_ =	shalt  }
0x85: {  	_ =	shalt  }
0x86: {  	_ =	shalt  }
0x87: {  	_ =	shalt  }
.Lfunc_end0:
.L_simem_size_0:
called_computation.2_lowered:
.L_overlay_start_0:
0x88: {  	s2 =	sld [smem:$0x3FD9]  }
0x89: {  	s3 =	sld [smem:$0x3FFE];
	_ =	sdelay $0x1  }
0x8a: {  	s1 =	srdreg.scid  }
0x8b: {  	s0 =	sand.u32 $0x1, s1  }
0x8c: {  	s17 =	sshll.u32 s0, $0xA;
	s2 =	sadd.s32 s3, s2  }
0x8d: {  	s2 =	sadd.s32 s2, s17  }
0x8e: {  	[smem:$0x3FBE] =	sst s2  }
0x8f: {  	_ = 	snop  }
0x90: {  	s2 =	sld [smem:$0x3FD0];
	(tm) =	ssettm $0x1  }
0x91: {  	s18 =	sld [smem:$0x3FFB];
	_ =	sdelay $0x3  }
0x92: {  	_ =	strace s18  }
0x93: {  	s3 =	sld [smem:$0x3FFC];
	_ =	sdelay $0x3  }
0x94: {  	_ =	strace s3  }
0x95: {  	s3 =	sld [smem:$0x3FFD];
	_ =	sdelay $0x3  }
0x96: {  	_ =	strace s3  }
0x97: {  	_ =	strace $0x8FFFFFFF  }
0x98: {  	s19 =	sld [smem:$0x3FDB];
	_ =	sdelay $0x1  }
0x99: {  	s4 =	simm.s32 $_scs_section_size  }
0x9a: {  	s5 =	simm.s32 $_size__tile_overlayer_lowered;
	s6 =	simm.s32 $_tile_overlayer_lowered  }
0x9b: {  	s22 =	simm.s32 $0x1BFF;
	s21 =	sshll.u32 s6, $0x1;
	s3 =	sadd.s32 s4, s19  }
0x9c: {  	s7 =	simm.s32 $0x0;
	s20 =	sshll.u32 s5, $0x1;
	s5 =	sadd.s32 s21, s3  }
0x9d: {  	[timem:s7], [sflag:s22] =	dma.local [hbm:s5], s20  }
0x9e: {  	_ =	swait.ge [sflag:s22], s20  }
0x9f: {  	s4 =	ssub.s32 $0x0, s20;
	[sflag:s22] =	ssyncset.done $0x0  }
0xa0: {  	[sflag:s22] =	ssyncadd.s32 s4;
	_ =	sdelay $0x1  }
0xa1: {  	s23 =	simm.s32 $0x1B8B  }
0xa2: {  	_ =	swait.ge [sflag:s23], $0x1  }
0xa3: {  	[sflag:s23] =	ssyncset.done $0x0  }
0xa4: {  	s25 =	simm.s32 $0x1B8E;
	s24 =	sld [smem:$0x3FFE];
	[sflag:s23] =	ssyncadd.s32 $0xFFFFFFFF  }
0xa5: {  	s26 =	simm.s32 $execute0_lowered;
	[smem:$0x3FD2] =	sst s25  }
0xa6: {  	s5 =	sshll.u32 s26, $0x1;
	_ =	strace $0x8000004C;
	[dreg:$0x1] =	wrdreg $0xFFFFFFFF  }
0xa7: {  	s28 =	simm.s32 $_size_execute0_lowered;
	s3 =	sadd.s32 s3, s5;
	[dreg:$0x0] =	wrdreg $0x0  }
0xa8: {  	s5 =	sshll.u32 s28, $0x1;
	[dreg:$0x2] =	wrdreg s3  }
0xa9: {  	[dreg:$0x3] =	wrdreg s5  }
0xaa: {  	[dreg:$0x4] =	wrdreg $0xC0  }
0xab: {  	_ =	task [dreg:s7], $0x5FFFF  }
0xac: {  	[dreg:$0x1] =	wrdreg $0xFFFFFFFF  }
0xad: {  	[dreg:$0x0] =	wrdreg $0x60  }
0xae: {  	[dreg:$0x2] =	wrdreg s2  }
0xaf: {  	[dreg:$0x3] =	wrdreg s24  }
0xb0: {  	[dreg:$0x4] =	wrdreg $0x186A00  }
0xb1: {  	[dreg:$0x5] =	wrdreg $0x9  }
0xb2: {  	_ =	task.clear_ibuf [dreg:s7], $0x6FFFF;
	_ =	strace $0x9000004C  }
0xb3: {  	s29 =	simm.s32 $0x9;
	_ =	strace $0x8000004E  }
0xb4: {  	_ =	swait.ge [sflag:s29], $0x1  }
0xb5: {  	[sflag:s29] =	ssyncadd.s32 $0xFFFFFFFF  }
0xb6: {  	_ =	strace $0x9000004E  }
0xb7: {  	_ =	sfence  }
0xb8: {  	s30 =	sld [smem:$0x0];
	_ =	sdelay $0x2  }
0xb9: {  	s31 =	sshll.u32 s1, $0xD;
	s1 =	sshrl.u32 s1, $0x2  }
0xba: {  	s3 =	sand.u32 $0x4000, s31;
	s1 =	sadd.s32 s1, s30  }
0xbb: {  	s0 =	sor.u32 s3, s0;
	s1 =	sshll.u32 s1, $0x11  }
0xbc: {  	s0 =	sor.u32 s1, s0  }
0xbd: {  	s0 =	sadd.s32 $0x8F2B, s0  }
0xbe: {  	[sflag:s0] =	ssyncadd.remote.s32 $0x1  }
0xbf: {  	_ =	sfence.sel $0xFFFF  }
0xc0: {  	[dreg:$0x0] =	wrdreg $0xFFFFFFFF;
	(pc) =	sbr.abs _section_cstart, $3  }
0xc1: {  	[dreg:$0x1] =	wrdreg $0xFFFFFFFF  }
0xc2: {  	_ =	task.clear_ibuf [dreg:s7], $0x2FFFF;
	_ =	strace $0x9FFFFFFF  }
0xc3: {  	(tm) =	ssettm $0x7FFFFFFF  }
tec
execute0_lowered:
.L_overlay_start_1:
0x0: {  	(tag) =	ssettag $0x1  }
0x1: {  	s0 =	srdreg.scid  }
0x2: {  	s14 =	sand.u32 $0x1, s0  }
0x3: {  	s4 =	rddreg [dreg:$0x0];
	s0 =	stileid.u32;
	s1 =	sshll.u32 s14, $0x4  }
0x4: {  	s15 =	rddreg [dreg:$0x1];
	s5 =	sor.u32 s0, s1  }
0x5: {  	s2 =	rddreg [dreg:$0x2];
	s3 =	simm.s32 $0x0;
	s5 =	smul.u32 $0x2710, s5  }
0x6: {  	[smem:$0x7FF] =	sst s3  }
0x7: {  	s16 =	smul.u32 $0x1400, s0;
	s1 =	rddreg [dreg:$0x3];
	s5 =	sshrl.u32 s5, $0x3  }
0x8: {  	_ =	strace $0x8000004D;
	s5 =	sadd.s32 s4, s5;
	s4 =	simm.s32 $0x2  }
0x9: {  	[tilespmem:s3], [sflag:$0x2] =	stream.linear.gather [hbm4b:s5+s3], $0x2710, $0x38;
	[tilespmem:$0x19AA0] =	vst v63  }
0xa: {  	s8 =	simm.s32 $0x2710;
	_ =	swait.ge [sflag:s4], $0x2710  }
0xb: {  	s10 =	simm.s32 $0x4E20;
	s7 =	sshrl.u32 s16, $0x3;
	[sflag:s4] =	ssyncset.done $0x0  }
0xc: {  	s9 =	sadd.s32 s7, s15;
	s7 =	sadd.s32 $0x9C40, s5;
	[sflag:s4] =	ssyncadd.s32 $0xFFFFD8F0  }
0xd: {  	[tilespmem:s8], [sflag:$0x2] =	stream.linear.gather [hbm4b:s7+s3], $0x2710, $0x38;
	[tilespmem:$0x19AA0] =	vst v63  }
0xe: {  	s6 =	sadd.s32 $0x2800, s15;
	s11 =	sshll.u32 s0, $0x6;
	_ =	swait.ge [sflag:s4], $0x2710  }
0xf: {  	s11 =	sor.u32 $0x1C02, s11;
	s12 =	sadd.s32 s16, s2;
	[sflag:s4] =	ssyncset.done $0x0  }
0x10: {  	s12 =	sshrl.u32 s12, $0x3;
	s9 =	sadd.s32 $0x5000, s9;
	[sflag:s4] =	ssyncadd.s32 $0xFFFFD8F0  }
0x11: {  	[tilespmem:s10], [sflag:$0x1] =	stream.indirect.gather [hbm4b:s6+s8], $0x8, s3, s8, $0xb8;
	[tilespmem:$0x19AA0] =	vst v63  }
0x12: {  	[spmem:s12], [sflag:s11] =	dma.local [hbm:s9], $0x280  }
0x13: {  	_ =	swait.ge [sflag:s4], $0x280  }
0x14: {  	[sflag:s4] =	ssyncset.done $0x0  }
0x15: {  	s13 =	simm.s32 $0x1;
	[sflag:s4] =	ssyncadd.s32 $0xFFFFFD80  }
0x16: {  	_ =	swait.ge [sflag:s13], $0x13880  }
0x17: {  	s17 =	smul.u32 $0x14000, s14;
	s14 =	ssub.s32 $0x2, s14;
	[sflag:s13] =	ssyncset.done $0x0  }
0x18: {  	s29 =	sshrl.u32 s14, $0x1;
	[sflag:s13] =	ssyncadd.s32 $0xFFFEC780  }
0x19: {  	s30 =	ssub.s32 s14, s29;
	[bflag:$0x0] =	sbarrier.arrive $0xFFFF  }
0x1a: {  	[spmem:s2] =	stream.indirect.scatter.add.f32 [tilespmem:s10], [sflag:$0x2], $0x8, s8, s8, $0xb8;
	[tilespmem:$0x19AA0] =	vst v63  }
0x1b: {  	s16 =	sadd.s32 s16, s17;
	s31 =	smax.u32 s30, $0x1;
	_ =	swait.ge [sflag:s4], $0x13880  }
0x1c: {  	s16 =	sshrl.u32 s16, $0x3;
	p0 =	sne.s32 s31, $0x1;
	[sflag:s4] =	ssyncset.done $0x0  }
.Ltmp0:
0x1d: {  	s15 =	sadd.s32 s16, s15;
	[sflag:s4] =	ssyncadd.s32 $0xFFFEC780;
	(pc) =	sbr.rel @!p0 .LBB2_2-.Ltmp0, $4  }
0x1e: {  	s14 =	sadd.s32 $0x7800, s15;
	[bflag:$0x0] =	sbarrier.arrive $0xFFFF  }
0x1f: {  	[hbm:s14], [sflag:s11] =	dma.local [spmem:s12], $0x280  }
0x20: {  	_ =	swait.ge [sflag:s4], $0x280  }
0x21: {  	s15 =	sadd.s32 $0xFFFFFFFF, s31;
	[sflag:s4] =	ssyncset.done $0x0  }
.LBB2_1:
0x22: {  	p0 =	sne.s32 s15, $0x1;
	s15 =	sadd.s32 $0xFFFFFFFF, s15;
	[sflag:s4] =	ssyncadd.s32 $0xFFFFFD80  }
0x23: {  	[tilespmem:s3], [sflag:$0x2] =	stream.linear.gather [hbm4b:s5+s3], $0x2710, $0x38;
	[tilespmem:$0x19AA0] =	vst v63  }
0x24: {  	_ =	swait.ge [sflag:s4], $0x2710  }
0x25: {  	[sflag:s4] =	ssyncset.done $0x0  }
0x26: {  	[sflag:s4] =	ssyncadd.s32 $0xFFFFD8F0  }
0x27: {  	[tilespmem:s8], [sflag:$0x2] =	stream.linear.gather [hbm4b:s7+s3], $0x2710, $0x38;
	[tilespmem:$0x19AA0] =	vst v63  }
0x28: {  	_ =	swait.ge [sflag:s4], $0x2710  }
0x29: {  	[sflag:s4] =	ssyncset.done $0x0  }
0x2a: {  	[sflag:s4] =	ssyncadd.s32 $0xFFFFD8F0  }
0x2b: {  	[tilespmem:s10], [sflag:$0x1] =	stream.indirect.gather [hbm4b:s6+s8], $0x8, s3, s8, $0xb8;
	[tilespmem:$0x19AA0] =	vst v63  }
0x2c: {  	[spmem:s12], [sflag:s11] =	dma.local [hbm:s9], $0x280  }
0x2d: {  	_ =	swait.ge [sflag:s4], $0x280  }
0x2e: {  	[sflag:s4] =	ssyncset.done $0x0  }
0x2f: {  	[sflag:s4] =	ssyncadd.s32 $0xFFFFFD80  }
0x30: {  	_ =	swait.ge [sflag:s13], $0x13880  }
0x31: {  	[sflag:s13] =	ssyncset.done $0x0  }
0x32: {  	[sflag:s13] =	ssyncadd.s32 $0xFFFEC780  }
0x33: {  	[bflag:$0x0] =	sbarrier.arrive $0xFFFF  }
0x34: {  	[spmem:s2] =	stream.indirect.scatter.add.f32 [tilespmem:s10], [sflag:$0x2], $0x8, s8, s8, $0xb8;
	[tilespmem:$0x19AA0] =	vst v63  }
0x35: {  	_ =	swait.ge [sflag:s4], $0x13880  }
0x36: {  	[sflag:s4] =	ssyncset.done $0x0  }
.Ltmp1:
0x37: {  	[sflag:s4] =	ssyncadd.s32 $0xFFFEC780;
	(pc) =	sbr.rel @p0 .LBB2_1-.Ltmp1, $4  }
0x38: {  	[bflag:$0x0] =	sbarrier.arrive $0xFFFF  }
0x39: {  	[hbm:s14], [sflag:s11] =	dma.local [spmem:s12], $0x280  }
0x3a: {  	_ =	swait.ge [sflag:s4], $0x280  }
0x3b: {  	[sflag:s4] =	ssyncset.done $0x0  }
.LBB2_2:
0x3c: {  	[sflag:s4] =	ssyncadd.s32 $0xFFFFFD80  }
0x3d: {  	_ =	sfence.sel $0x180000  }
0x3e: {  	[bflag:$0x0] =	sbarrier.arrive $0xFFFF  }
0x3f: {  	p0 =	sne.s32 s0, $0x0;
	_ =	strace $0x9000004D  }
0x40: {  	s0 =	sadd.s32 @!p0 $0x100000, s1;
	[bflag:$0x2] =	sbarrier.arrive $0xFFFF  }
0x41: {  	[sflag:s0] =	ssyncadd.tile.s32 @!p0 $0x1;
	_ =	shalt  }
.Lfunc_end2:
_tile_overlayer_lowered:
.L_overlay_start_2:
0x42: {  	(tag) =	ssettag $0x2  }
0x43: {  	s0 =	rddreg [dreg:$0x0];
	s2 =	stileid.u32  }
0x44: {  	s1 =	rddreg [dreg:$0x1];
	p0 =	sne.s32 s2, $0x0  }
0x45: {  	s3 =	rddreg [dreg:$0x2];
	[bflag:$0x3] =	sbarrier.arrive $0xFFFF;
	s2 =	simm.s32 @!p0 $0x1C02  }
0x46: {  	[timem:s3], [sflag:s2] =	dma.local @!p0 [hbm:s0], s1  }
0x47: {  	s0 =	simm.s32 @!p0 $0x2  }
0x48: {  	_ =	swait.ge @!p0 [sflag:s0], s1  }
0x49: {  	s1 =	ssub.s32 @!p0 $0x0, s1;
	[sflag:s0] =	ssyncset.done @!p0 $0x0  }
0x4a: {  	[sflag:s0] =	ssyncadd.s32 @!p0 s1  }
0x4b: {  	[bflag:$0x3] =	sbarrier.arrive $0xFFFF  }
0x4c: {  	_ =	shalt  }

// kernel: kernel.8.cloned.1.call-start
scs
__scs_entry_jumppad:
0x0: {  	(pc) =	sbr.rel $0x88, $3  }
0x1: {  	(tag) =	ssettag $0x0;
	lr =	simm.s32 $0x1  }
0x2: {  	[smem:$0x3F97] =	sst lr;
	_ =	strace $0xD0000000  }
0x3: {  	_ = 	snop  }
0x4: {  	_ = 	snop  }
0x5: {  	_ = 	snop  }
0x6: {  	_ = 	snop  }
0x7: {  	_ = 	snop  }
__scs_overlays_trampoline_lowered:
0x8: {  	[smem:$0x3FA6] =	sst s0  }
0x9: {  	[smem:$0x3FA7] =	sst s1  }
0xa: {  	[smem:$0x3FA8] =	sst s2  }
0xb: {  	[smem:$0x3FA9] =	sst s3  }
0xc: {  	[smem:$0x3FAA] =	sst s4  }
0xd: {  	[smem:$0x3FAB] =	sst s5  }
0xe: {  	[smem:$0x3FAC] =	sst s6  }
0xf: {  	[smem:$0x3FAD] =	sst s7  }
0x10: {  	[smem:$0x3FAE] =	sst s8  }
0x11: {  	[smem:$0x3FAF] =	sst s9;
	s0 =	simm.s32 @!p0 $0x0  }
0x12: {  	s1 =	sld [smem:$0x3F95];
	s0 =	simm.s32 @p0 $0x1  }
0x13: {  	[smem:$0x3FB0] =	sst s0;
	s0 =	simm.s32 @!p1 $0x0  }
0x14: {  	s2 =	sld [smem:$0x3F94];
	s0 =	simm.s32 @p1 $0x1  }
0x15: {  	[smem:$0x3FB1] =	sst s0;
	s0 =	simm.s32 @!p2 $0x0  }
0x16: {  	s3 =	sld [smem:$0x3FDB];
	s0 =	simm.s32 @p2 $0x1  }
0x17: {  	s4 =	simm.s32 $0x1BF5;
	[smem:$0x3FB3] =	sst s0  }
0x18: {  	s0 =	sld [smem:$0x3F96];
	_ =	swait.ge [sflag:s4], $0x0  }
0x19: {  	s7 =	sld [smem:$0x3F97]  }
0x1a: {  	s8 =	sadd.s32 $0xFFFFE003, lr  }
0x1b: {  	s9 =	sadd.s32 $0xFFFFFEF7, lr;
	s5 =	simm.s32 $0xFFFFFFFF;
	p2 =	slt.u32 s8, $0xFFFFF086  }
0x1c: {  	p1 =	slt.u32 s9, $0xF7A;
	s5 =	simm.s32 @!p2 $0x0  }
0x1d: {  	s5 =	simm.s32 @p1 $0x1;
	p0 =	seq.s32 s7, s2  }
0x1e: {  	s7 =	smul.u32 @!p0 $0xF7A, s2;
	p2 =	seq.s32 @!p0 s5, $0x0  }
0x1f: {  	s9 =	smul.u32 $0xF7A, s1;
	s8 =	simm.s32 @!p0 $0x1BF5;
	p2 =	por !p2, p0  }
0x20: {  	[sflag:s8] =	ssyncset.s32 @!p0 $0xFFFFF086;
	s6 =	sadd.s32 @!p0 s3, s7;
	s7 =	simm.s32 @!p0 $0x108  }
0x21: {  	s3 =	sadd.s32 s3, s9;
	s6 =	sadd.s32 @!p0 $0x88, s6;
	s7 =	simm.s32 @p2 $0x1082  }
0x22: {  	[simem:s7], [sflag:s8] =	dma.local @!p0 [hbm:s6], $0xF7A  }
0x23: {  	s9 =	sor.u32 $0xD0000000, s2;
	s6 =	simm.s32 $0x108;
	_ =	swait.ge @!p0 [sflag:s8], $0x0  }
0x24: {  	s3 =	sadd.s32 $0x88, s3;
	s6 =	simm.s32 @!p1 $0x1082;
	[sflag:s4] =	ssyncset.s32 $0xFFFFF086  }
0x25: {  	[simem:s6], [sflag:s4] =	dma.local [hbm:s3], $0xF7A  }
0x26: {  	[smem:$0x3F97] =	sst s1;
	(tag) =	ssettag s2;
	_ =	strace s9  }
0x27: {  	s1 =	sld [smem:$0x3FA7]  }
0x28: {  	s2 =	sld [smem:$0x3FA8]  }
0x29: {  	s4 =	sld [smem:$0x3FAA]  }
0x2a: {  	p0 =	seq.s32 s5, $0x0;
	s5 =	sld [smem:$0x3FAB]  }
0x2b: {  	s6 =	sld [smem:$0x3FAC]  }
0x2c: {  	s7 =	sld [smem:$0x3FAD]  }
0x2d: {  	s3 =	simm.s32 $0x108;
	s8 =	sld [smem:$0x3FAE]  }
0x2e: {  	s3 =	simm.s32 @!p0 $0x1082;
	s9 =	sld [smem:$0x3FAF]  }
0x2f: {  	lr =	sadd.s32 s0, s3;
	s0 =	sld [smem:$0x3FA6]  }
0x30: {  	s3 =	sld [smem:$0x3FA9]  }
0x31: {  	[smem:$0x3FB2] =	sst s10  }
0x32: {  	s10 =	sld [smem:$0x3FB0];
	_ =	sdelay $0x3  }
0x33: {  	p0 =	seq.s32 s10, $0x1;
	s10 =	sld [smem:$0x3FB2];
	_ =	sdelay $0x3  }
0x34: {  	[smem:$0x3FB2] =	sst s10  }
0x35: {  	s10 =	sld [smem:$0x3FB1];
	_ =	sdelay $0x3  }
0x36: {  	p1 =	seq.s32 s10, $0x1;
	s10 =	sld [smem:$0x3FB2];
	_ =	sdelay $0x3  }
0x37: {  	[smem:$0x3FB2] =	sst s10  }
0x38: {  	s10 =	sld [smem:$0x3FB3]  }
0x39: {  	_ = 	snop;
	(pc) =	sbr.ind lr, $3  }
0x3a: {  	_ = 	snop  }
0x3b: {  	_ = 	snop  }
0x3c: {  	p2 =	seq.s32 s10, $0x1;
	s10 =	sld [smem:$0x3FB2]  }
0x3d: {  	_ =	shalt  }
0x3e: {  	_ =	shalt  }
0x3f: {  	_ =	shalt  }
0x40: {  	_ =	shalt  }
0x41: {  	_ =	shalt  }
0x42: {  	_ =	shalt  }
0x43: {  	_ =	shalt  }
0x44: {  	_ =	shalt  }
0x45: {  	_ =	shalt  }
0x46: {  	_ =	shalt  }
0x47: {  	_ =	shalt  }
0x48: {  	_ =	shalt  }
0x49: {  	_ =	shalt  }
0x4a: {  	_ =	shalt  }
0x4b: {  	_ =	shalt  }
0x4c: {  	_ =	shalt  }
0x4d: {  	_ =	shalt  }
0x4e: {  	_ =	shalt  }
0x4f: {  	_ =	shalt  }
0x50: {  	_ =	shalt  }
0x51: {  	_ =	shalt  }
0x52: {  	_ =	shalt  }
0x53: {  	_ =	shalt  }
0x54: {  	_ =	shalt  }
0x55: {  	_ =	shalt  }
0x56: {  	_ =	shalt  }
0x57: {  	_ =	shalt  }
0x58: {  	_ =	shalt  }
0x59: {  	_ =	shalt  }
0x5a: {  	_ =	shalt  }
0x5b: {  	_ =	shalt  }
0x5c: {  	_ =	shalt  }
0x5d: {  	_ =	shalt  }
0x5e: {  	_ =	shalt  }
0x5f: {  	_ =	shalt  }
0x60: {  	_ =	shalt  }
0x61: {  	_ =	shalt  }
0x62: {  	_ =	shalt  }
0x63: {  	_ =	shalt  }
0x64: {  	_ =	shalt  }
0x65: {  	_ =	shalt  }
0x66: {  	_ =	shalt  }
0x67: {  	_ =	shalt  }
0x68: {  	_ =	shalt  }
0x69: {  	_ =	shalt  }
0x6a: {  	_ =	shalt  }
0x6b: {  	_ =	shalt  }
0x6c: {  	_ =	shalt  }
0x6d: {  	_ =	shalt  }
0x6e: {  	_ =	shalt  }
0x6f: {  	_ =	shalt  }
0x70: {  	_ =	shalt  }
0x71: {  	_ =	shalt  }
0x72: {  	_ =	shalt  }
0x73: {  	_ =	shalt  }
0x74: {  	_ =	shalt  }
0x75: {  	_ =	shalt  }
0x76: {  	_ =	shalt  }
0x77: {  	_ =	shalt  }
0x78: {  	_ =	shalt  }
0x79: {  	_ =	shalt  }
0x7a: {  	_ =	shalt  }
0x7b: {  	_ =	shalt  }
0x7c: {  	_ =	shalt  }
0x7d: {  	_ =	shalt  }
0x7e: {  	_ =	shalt  }
0x7f: {  	_ =	shalt  }
0x80: {  	_ =	shalt  }
0x81: {  	_ =	shalt  }
0x82: {  	_ =	shalt  }
0x83: {  	_ =	shalt  }
0x84: {  	_ =	shalt  }
0x85: {  	_ =	shalt  }
0x86: {  	_ =	shalt  }
0x87: {  	_ =	shalt  }
.Lfunc_end0:
.L_simem_size_0:
called_computation_lowered:
.L_overlay_start_0:
0x88: {  	s2 =	sld [smem:$0x3FD9]  }
0x89: {  	s3 =	sld [smem:$0x3FFE];
	_ =	sdelay $0x1  }
0x8a: {  	s1 =	srdreg.scid  }
0x8b: {  	s0 =	sand.u32 $0x1, s1  }
0x8c: {  	s17 =	sshll.u32 s0, $0xA;
	s2 =	sadd.s32 s3, s2  }
0x8d: {  	s2 =	sadd.s32 s2, s17  }
0x8e: {  	[smem:$0x3FBE] =	sst s2  }
0x8f: {  	_ = 	snop  }
0x90: {  	s2 =	sld [smem:$0x3FD0];
	(tm) =	ssettm $0x1  }
0x91: {  	s18 =	sld [smem:$0x3FFB];
	_ =	sdelay $0x3  }
0x92: {  	_ =	strace s18  }
0x93: {  	s3 =	sld [smem:$0x3FFC];
	_ =	sdelay $0x3  }
0x94: {  	_ =	strace s3  }
0x95: {  	s3 =	sld [smem:$0x3FFD];
	_ =	sdelay $0x3  }
0x96: {  	_ =	strace s3  }
0x97: {  	_ =	strace $0x8FFFFFFF  }
0x98: {  	s19 =	sld [smem:$0x3FDB];
	_ =	sdelay $0x1  }
0x99: {  	s4 =	simm.s32 $_scs_section_size  }
0x9a: {  	s5 =	simm.s32 $_size__tile_overlayer_lowered;
	s6 =	simm.s32 $_tile_overlayer_lowered  }
0x9b: {  	s22 =	simm.s32 $0x1BFF;
	s21 =	sshll.u32 s6, $0x1;
	s3 =	sadd.s32 s4, s19  }
0x9c: {  	s7 =	simm.s32 $0x0;
	s20 =	sshll.u32 s5, $0x1;
	s5 =	sadd.s32 s21, s3  }
0x9d: {  	[timem:s7], [sflag:s22] =	dma.local [hbm:s5], s20  }
0x9e: {  	_ =	swait.ge [sflag:s22], s20  }
0x9f: {  	s4 =	ssub.s32 $0x0, s20;
	[sflag:s22] =	ssyncset.done $0x0  }
0xa0: {  	[sflag:s22] =	ssyncadd.s32 s4;
	_ =	sdelay $0x1  }
0xa1: {  	s23 =	simm.s32 $0x1B8B  }
0xa2: {  	_ =	swait.ge [sflag:s23], $0x1  }
0xa3: {  	[sflag:s23] =	ssyncset.done $0x0  }
0xa4: {  	s25 =	simm.s32 $0x1B8E;
	s24 =	sld [smem:$0x3FFE];
	[sflag:s23] =	ssyncadd.s32 $0xFFFFFFFF  }
0xa5: {  	s26 =	simm.s32 $execute0_lowered;
	[smem:$0x3FD2] =	sst s25  }
0xa6: {  	s5 =	sshll.u32 s26, $0x1;
	_ =	strace $0x80000046;
	[dreg:$0x1] =	wrdreg $0xFFFFFFFF  }
0xa7: {  	s28 =	simm.s32 $_size_execute0_lowered;
	s3 =	sadd.s32 s3, s5;
	[dreg:$0x0] =	wrdreg $0x0  }
0xa8: {  	s5 =	sshll.u32 s28, $0x1;
	[dreg:$0x2] =	wrdreg s3  }
0xa9: {  	[dreg:$0x3] =	wrdreg s5  }
0xaa: {  	[dreg:$0x4] =	wrdreg $0xC0  }
0xab: {  	_ =	task [dreg:s7], $0x5FFFF  }
0xac: {  	[dreg:$0x1] =	wrdreg $0xFFFFFFFF  }
0xad: {  	[dreg:$0x0] =	wrdreg $0x60  }
0xae: {  	[dreg:$0x2] =	wrdreg s2  }
0xaf: {  	[dreg:$0x3] =	wrdreg s24  }
0xb0: {  	[dreg:$0x4] =	wrdreg $0x186A00  }
0xb1: {  	[dreg:$0x5] =	wrdreg $0x9  }
0xb2: {  	_ =	task.clear_ibuf [dreg:s7], $0x6FFFF;
	_ =	strace $0x90000046  }
0xb3: {  	s29 =	simm.s32 $0x9;
	_ =	strace $0x80000048  }
0xb4: {  	_ =	swait.ge [sflag:s29], $0x1  }
0xb5: {  	[sflag:s29] =	ssyncadd.s32 $0xFFFFFFFF  }
0xb6: {  	_ =	strace $0x90000048  }
0xb7: {  	_ =	sfence  }
0xb8: {  	s30 =	sld [smem:$0x0];
	_ =	sdelay $0x2  }
0xb9: {  	s31 =	sshll.u32 s1, $0xD;
	s1 =	sshrl.u32 s1, $0x2  }
0xba: {  	s3 =	sand.u32 $0x4000, s31;
	s1 =	sadd.s32 s1, s30  }
0xbb: {  	s0 =	sor.u32 s3, s0;
	s1 =	sshll.u32 s1, $0x11  }
0xbc: {  	s0 =	sor.u32 s1, s0  }
0xbd: {  	s0 =	sadd.s32 $0x8F2B, s0  }
0xbe: {  	[sflag:s0] =	ssyncadd.remote.s32 $0x1  }
0xbf: {  	_ =	sfence.sel $0xFFFF  }
0xc0: {  	[dreg:$0x0] =	wrdreg $0xFFFFFFFF;
	(pc) =	sbr.abs _section_cstart, $3  }
0xc1: {  	[dreg:$0x1] =	wrdreg $0xFFFFFFFF  }
0xc2: {  	_ =	task.clear_ibuf [dreg:s7], $0x2FFFF;
	_ =	strace $0x9FFFFFFF  }
0xc3: {  	(tm) =	ssettm $0x7FFFFFFF  }
tec
execute0_lowered:
.L_overlay_start_1:
0x0: {  	(tag) =	ssettag $0x1  }
0x1: {  	s0 =	srdreg.scid  }
0x2: {  	s4 =	rddreg [dreg:$0x0];
	s14 =	sand.u32 $0x1, s0  }
0x3: {  	s13 =	rddreg [dreg:$0x1];
	s1 =	stileid.u32;
	s5 =	sshll.u32 s14, $0x4  }
0x4: {  	s2 =	rddreg [dreg:$0x2];
	s5 =	sor.u32 s1, s5  }
0x5: {  	s3 =	simm.s32 $0x0;
	s0 =	rddreg [dreg:$0x3];
	s5 =	smul.u32 $0x4E2, s5  }
0x6: {  	[smem:$0x7FF] =	sst s3;
	s15 =	smul.u32 $0x1400, s1  }
0x7: {  	_ =	strace $0x80000047;
	s5 =	sadd.s32 s4, s5;
	s4 =	simm.s32 $0x2  }
0x8: {  	[tilespmem:s3], [sflag:$0x2] =	stream.linear.gather [hbm4b:s5+s3], $0x2710, $0x38;
	[tilespmem:$0x19AA0] =	vst v63  }
0x9: {  	_ =	swait.ge [sflag:s4], $0x2710  }
0xa: {  	s9 =	simm.s32 $0x4E20;
	s7 =	sshrl.u32 s15, $0x3;
	[sflag:s4] =	ssyncset.done $0x0  }
0xb: {  	s8 =	sadd.s32 s7, s13;
	s7 =	simm.s32 $0x2710;
	[sflag:s4] =	ssyncadd.s32 $0xFFFFD8F0  }
0xc: {  	[tilespmem:s7], [sflag:$0x2] =	stream.linear.gather [hbm4b:s5+s3], $0x2710, $0x38;
	[tilespmem:$0x19AA0] =	vst v63  }
0xd: {  	s6 =	sadd.s32 $0x2800, s13;
	s10 =	sshll.u32 s1, $0x6;
	_ =	swait.ge [sflag:s4], $0x2710  }
0xe: {  	s10 =	sor.u32 $0x1C02, s10;
	s11 =	sadd.s32 s15, s2;
	[sflag:s4] =	ssyncset.done $0x0  }
0xf: {  	s11 =	sshrl.u32 s11, $0x3;
	s8 =	sadd.s32 $0x5000, s8;
	[sflag:s4] =	ssyncadd.s32 $0xFFFFD8F0  }
0x10: {  	[tilespmem:s9], [sflag:$0x1] =	stream.indirect.gather [hbm4b:s6+s7], $0x8, s3, s7, $0xb8;
	[tilespmem:$0x19AA0] =	vst v63  }
0x11: {  	[spmem:s11], [sflag:s10] =	dma.local [hbm:s8], $0x280  }
0x12: {  	_ =	swait.ge [sflag:s4], $0x280  }
0x13: {  	[sflag:s4] =	ssyncset.done $0x0  }
0x14: {  	s12 =	simm.s32 $0x1;
	[sflag:s4] =	ssyncadd.s32 $0xFFFFFD80  }
0x15: {  	_ =	swait.ge [sflag:s12], $0x13880  }
0x16: {  	s16 =	smul.u32 $0x14000, s14;
	s14 =	ssub.s32 $0x2, s14;
	[sflag:s12] =	ssyncset.done $0x0  }
0x17: {  	s31 =	sshrl.u32 s14, $0x1;
	[sflag:s12] =	ssyncadd.s32 $0xFFFEC780  }
0x18: {  	s14 =	ssub.s32 s14, s31;
	[bflag:$0x0] =	sbarrier.arrive $0xFFFF  }
0x19: {  	[spmem:s2] =	stream.indirect.scatter.add.f32 [tilespmem:s9], [sflag:$0x2], $0x8, s7, s7, $0xb8;
	[tilespmem:$0x19AA0] =	vst v63  }
0x1a: {  	s15 =	sadd.s32 s15, s16;
	s14 =	smax.u32 s14, $0x1;
	_ =	swait.ge [sflag:s4], $0x13880  }
0x1b: {  	s15 =	sshrl.u32 s15, $0x3;
	p0 =	sne.s32 s14, $0x1;
	[sflag:s4] =	ssyncset.done $0x0  }
.Ltmp0:
0x1c: {  	s13 =	sadd.s32 s15, s13;
	[sflag:s4] =	ssyncadd.s32 $0xFFFEC780;
	(pc) =	sbr.rel @!p0 .LBB2_2-.Ltmp0, $4  }
0x1d: {  	s13 =	sadd.s32 $0x7800, s13;
	[bflag:$0x0] =	sbarrier.arrive $0xFFFF  }
0x1e: {  	[hbm:s13], [sflag:s10] =	dma.local [spmem:s11], $0x280  }
0x1f: {  	_ =	swait.ge [sflag:s4], $0x280  }
0x20: {  	s14 =	sadd.s32 $0xFFFFFFFF, s14;
	[sflag:s4] =	ssyncset.done $0x0  }
.LBB2_1:
0x21: {  	p0 =	sne.s32 s14, $0x1;
	s14 =	sadd.s32 $0xFFFFFFFF, s14;
	[sflag:s4] =	ssyncadd.s32 $0xFFFFFD80  }
0x22: {  	[tilespmem:s3], [sflag:$0x2] =	stream.linear.gather [hbm4b:s5+s3], $0x2710, $0x38;
	[tilespmem:$0x19AA0] =	vst v63  }
0x23: {  	_ =	swait.ge [sflag:s4], $0x2710  }
0x24: {  	[sflag:s4] =	ssyncset.done $0x0  }
0x25: {  	[sflag:s4] =	ssyncadd.s32 $0xFFFFD8F0  }
0x26: {  	[tilespmem:s7], [sflag:$0x2] =	stream.linear.gather [hbm4b:s5+s3], $0x2710, $0x38;
	[tilespmem:$0x19AA0] =	vst v63  }
0x27: {  	_ =	swait.ge [sflag:s4], $0x2710  }
0x28: {  	[sflag:s4] =	ssyncset.done $0x0  }
0x29: {  	[sflag:s4] =	ssyncadd.s32 $0xFFFFD8F0  }
0x2a: {  	[tilespmem:s9], [sflag:$0x1] =	stream.indirect.gather [hbm4b:s6+s7], $0x8, s3, s7, $0xb8;
	[tilespmem:$0x19AA0] =	vst v63  }
0x2b: {  	[spmem:s11], [sflag:s10] =	dma.local [hbm:s8], $0x280  }
0x2c: {  	_ =	swait.ge [sflag:s4], $0x280  }
0x2d: {  	[sflag:s4] =	ssyncset.done $0x0  }
0x2e: {  	[sflag:s4] =	ssyncadd.s32 $0xFFFFFD80  }
0x2f: {  	_ =	swait.ge [sflag:s12], $0x13880  }
0x30: {  	[sflag:s12] =	ssyncset.done $0x0  }
0x31: {  	[sflag:s12] =	ssyncadd.s32 $0xFFFEC780  }
0x32: {  	[bflag:$0x0] =	sbarrier.arrive $0xFFFF  }
0x33: {  	[spmem:s2] =	stream.indirect.scatter.add.f32 [tilespmem:s9], [sflag:$0x2], $0x8, s7, s7, $0xb8;
	[tilespmem:$0x19AA0] =	vst v63  }
0x34: {  	_ =	swait.ge [sflag:s4], $0x13880  }
0x35: {  	[sflag:s4] =	ssyncset.done $0x0  }
.Ltmp1:
0x36: {  	[sflag:s4] =	ssyncadd.s32 $0xFFFEC780;
	(pc) =	sbr.rel @p0 .LBB2_1-.Ltmp1, $4  }
0x37: {  	[bflag:$0x0] =	sbarrier.arrive $0xFFFF  }
0x38: {  	[hbm:s13], [sflag:s10] =	dma.local [spmem:s11], $0x280  }
0x39: {  	_ =	swait.ge [sflag:s4], $0x280  }
0x3a: {  	[sflag:s4] =	ssyncset.done $0x0  }
.LBB2_2:
0x3b: {  	[sflag:s4] =	ssyncadd.s32 $0xFFFFFD80  }
0x3c: {  	_ =	sfence.sel $0x180000  }
0x3d: {  	[bflag:$0x0] =	sbarrier.arrive $0xFFFF  }
0x3e: {  	p0 =	sne.s32 s1, $0x0;
	_ =	strace $0x90000047  }
0x3f: {  	s0 =	sadd.s32 @!p0 $0x100000, s0;
	[bflag:$0x2] =	sbarrier.arrive $0xFFFF  }
0x40: {  	[sflag:s0] =	ssyncadd.tile.s32 @!p0 $0x1;
	_ =	shalt  }
.Lfunc_end2:
_tile_overlayer_lowered:
.L_overlay_start_2:
0x41: {  	(tag) =	ssettag $0x2  }
0x42: {  	s0 =	rddreg [dreg:$0x0];
	s2 =	stileid.u32  }
0x43: {  	s1 =	rddreg [dreg:$0x1];
	p0 =	sne.s32 s2, $0x0  }
0x44: {  	s3 =	rddreg [dreg:$0x2];
	[bflag:$0x3] =	sbarrier.arrive $0xFFFF;
	s2 =	simm.s32 @!p0 $0x1C02  }
0x45: {  	[timem:s3], [sflag:s2] =	dma.local @!p0 [hbm:s0], s1  }
0x46: {  	s0 =	simm.s32 @!p0 $0x2  }
0x47: {  	_ =	swait.ge @!p0 [sflag:s0], s1  }
0x48: {  	s1 =	ssub.s32 @!p0 $0x0, s1;
	[sflag:s0] =	ssyncset.done @!p0 $0x0  }
0x49: {  	[sflag:s0] =	ssyncadd.s32 @!p0 s1  }
0x4a: {  	[bflag:$0x3] =	sbarrier.arrive $0xFFFF  }
0x4b: {  	_ =	shalt  }

</sc_bundles>
